<compile_context>
chip_gen: v7x
topology: tpu7x:2x2x1
jax: 0.10.2.dev20260603
libtpu: 0.0.44.dev20260713+nightly
codegen_flags: <defaults>
</compile_context>

<pallas_src>
import functools

import jax
import jax.numpy as jnp
from jax import lax
from jax.experimental import pallas as pl
from jax.experimental.pallas import tpu as pltpu
from jax.experimental.pallas import tpu_sc as plsc

_LN_EPS = 1e-5
_NC = 2
_NS = 16
_NW = _NC * _NS
_IDXW = 128


def _repack_body(lo_ref, hi_ref, eye_ref, out_ref):
    x12 = jnp.concatenate([lo_ref[...], hi_ref[...]], axis=0)
    out_ref[...] = lax.dot_general(x12, eye_ref[...], (((0,), (0,)), ((), ())),
                                   preferred_element_type=jnp.float32)


def _repack(table_t, vh, blk):
    d, v = table_t.shape
    nbh = vh // blk
    vlast = -(-v // blk) - 1
    eye = jnp.eye(2 * d, dtype=jnp.float32)
    return pl.pallas_call(
        _repack_body,
        grid=(nbh,),
        in_specs=[
            pl.BlockSpec((d, blk), lambda i: (0, i)),
            pl.BlockSpec((d, blk), lambda i: (0, jnp.minimum(i + nbh, vlast))),
            pl.BlockSpec((2 * d, 2 * d), lambda i: (0, 0)),
        ],
        out_specs=pl.BlockSpec((blk, 2 * d), lambda i: (i, 0)),
        out_shape=jax.ShapeDtypeStruct((vh, 2 * d), jnp.float32),
    )(table_t, table_t, eye)


def _gather_body(nchunks, ids_hbm, table_hbm, out_hbm, idx_v, rows_a, rows_b,
                 sem_ga, sem_gb, sem_wa, sem_wb):
    wid = lax.axis_index("s") * _NC + lax.axis_index("c")
    base = wid * nchunks * 1024
    bufs = (rows_a, rows_b)
    sems_g = (sem_ga, sem_gb)
    sems_w = (sem_wa, sem_wb)

    def fire(bi, rows):
        for j in range(2):
            pltpu.make_async_copy(
                table_hbm.at[idx_v.at[rows + j]],
                bufs[bi].at[pl.ds(j * _IDXW, _IDXW)],
                sems_g[bi],
            ).start()

    def retire(bi, off):
        for j in range(2):
            pltpu.make_async_copy(
                table_hbm.at[idx_v.at[j]],
                bufs[bi].at[pl.ds(j * _IDXW, _IDXW)],
                sems_g[bi],
            ).wait()
        pltpu.make_async_copy(
            bufs[bi], out_hbm.at[pl.ds(off, 256)], sems_w[bi]
        ).start()

    def drain_w(bi):
        pltpu.make_async_copy(out_hbm.at[pl.ds(0, 256)], bufs[bi], sems_w[bi]).wait()

    def step(c, carry):
        @pl.when(c > 0)
        def _():
            retire(1, pl.multiple_of(base + c * 1024 - 256, 256))
        pltpu.sync_copy(ids_hbm.at[wid * nchunks + c], idx_v)
        for ph in range(4):
            pi = ph % 2
            @pl.when((c > 0) | (ph >= 2))
            def _(pi=pi):
                drain_w(pi)

            fire(pi, ph * 2)
            if ph >= 1:
                retire(1 - pi, pl.multiple_of(base + c * 1024 + (ph - 1) * 256, 256))
        return carry

    lax.fori_loop(0, nchunks, step, 0)
    retire(1, pl.multiple_of(base + nchunks * 1024 - 256, 256))
    drain_w(0)
    drain_w(1)


def _sc_gather(ids3d, table128):
    n = ids3d.shape[0] * 1024
    nchunks = ids3d.shape[0] // _NW
    mesh = plsc.VectorSubcoreMesh(core_axis_name="c", subcore_axis_name="s")
    f = pl.kernel(
        functools.partial(_gather_body, nchunks),
        out_type=jax.ShapeDtypeStruct((n, 128), jnp.float32),
        mesh=mesh,
        scratch_types=[
            pltpu.VMEM((8, _IDXW), jnp.int32),
            pltpu.VMEM((256, 128), jnp.float32),
            pltpu.VMEM((256, 128), jnp.float32),
            pltpu.SemaphoreType.DMA,
            pltpu.SemaphoreType.DMA,
            pltpu.SemaphoreType.DMA,
            pltpu.SemaphoreType.DMA,
        ],
    )
    return f(ids3d, table128)


def _lin_ln_t_body(w_ref, b_ref, g_ref, be_ref, p_ref, emb_ref, out_ref):
    x = emb_ref[...]
    w = w_ref[...]
    y01 = lax.dot_general(w, x, (((1,), (1,)), ((), ())),
                          preferred_element_type=jnp.float32)
    p = p_ref[0]
    y = jnp.where(p > 0.5, y01[64:128], y01[0:64])
    y = y + b_ref[...]
    m = jnp.mean(y, axis=0, keepdims=True)
    c = y - m
    v = jnp.mean(c * c, axis=0, keepdims=True)
    r = (c * lax.rsqrt(v + _LN_EPS)) * g_ref[...] + be_ref[...]
    out_ref[...] = r[None]


def _lin_ln_t(emb, w_cat, b, gamma, beta, p2d, fields, bsz, blk):
    d = w_cat.shape[0] // 2
    nb = bsz // blk
    return pl.pallas_call(
        _lin_ln_t_body,
        grid=(fields, nb),
        in_specs=[
            pl.BlockSpec((2 * d, 2 * d), lambda f, i: (0, 0)),
            pl.BlockSpec((d, 1), lambda f, i: (0, 0)),
            pl.BlockSpec((d, 1), lambda f, i: (0, 0)),
            pl.BlockSpec((d, 1), lambda f, i: (0, 0)),
            pl.BlockSpec((1, 1, blk), lambda f, i: (f, 0, i)),
            pl.BlockSpec((blk, 2 * d), lambda f, i: (f * nb + i, 0)),
        ],
        out_specs=pl.BlockSpec((1, d, blk), lambda f, i: (f, 0, i)),
        out_shape=jax.ShapeDtypeStruct((fields, d, bsz), jnp.float32),
    )(w_cat, b.reshape(d, 1), gamma.reshape(d, 1), beta.reshape(d, 1), p2d, emb)


def kernel(concept_ids, table, W, b, gamma, beta):
    bsz, fields = concept_ids.shape
    d = table.shape[1]
    n = bsz * fields
    v = table.shape[0]

    blk = 8192
    nbh = -(-v // (2 * blk))
    vh = nbh * blk
    table128 = _repack(table.T, vh, blk)

    ids_t = concept_ids.T.astype(jnp.int32)
    p2d = (ids_t >= vh).astype(jnp.float32).reshape(fields, 1, bsz)
    idq = jnp.where(ids_t >= vh, ids_t - vh, ids_t).reshape(n)
    ids3d = idq.reshape(n // 1024, 8, _IDXW)

    emb = _sc_gather(ids3d, table128)

    z = jnp.zeros_like(W)
    w_cat = jnp.concatenate(
        [jnp.concatenate([W, z], axis=1), jnp.concatenate([z, W], axis=1)],
        axis=0,
    )
    out_t = _lin_ln_t(emb, w_cat, b, gamma, beta, p2d, fields, bsz, blk=16384)
    return out_t.transpose(2, 0, 1)

# --- scband reference (transcript-rebuilt; emitter-appended) ---
"""Pipeline reference for scband-conceptual-anchor-73426760892613 (READ-ONLY COPY).

The authoritative reference and input builder live on the scoring server;
editing this copy changes nothing except your own understanding.
"""

import jax, jax.numpy as jnp
import numpy as np

NUM_CLASSES = 1000000
EMBED_DIM = 64
BATCH = 16384
FIELDS = 26


def setup_inputs(seed: int = 0) -> dict:
    key = jax.random.key(seed)
    k_ids, k_tab, k_w, k_b = jax.random.split(key, 4)
    concept_ids = jax.random.randint(k_ids, (BATCH, FIELDS), 0, NUM_CLASSES, dtype=jnp.int64 if jax.config.jax_enable_x64 else jnp.int32)
    table = jax.random.normal(k_tab, (NUM_CLASSES, EMBED_DIM), dtype=jnp.float32)
    W = jax.random.normal(k_w, (EMBED_DIM, EMBED_DIM), dtype=jnp.float32) * (1.0 / np.sqrt(EMBED_DIM))
    b = jax.random.normal(k_b, (EMBED_DIM,), dtype=jnp.float32) * 0.01
    gamma = jnp.ones((EMBED_DIM,), dtype=jnp.float32)
    beta = jnp.zeros((EMBED_DIM,), dtype=jnp.float32)
    return {"concept_ids": concept_ids, "table": table, "W": W, "b": b, "gamma": gamma, "beta": beta}


def _layer_norm(x, gamma, beta, eps=1e-5):
    mean = jnp.mean(x, axis=-1, keepdims=True)
    var = jnp.mean((x - mean) ** 2, axis=-1, keepdims=True)
    xhat = (x - mean) / jnp.sqrt(var + eps)
    return xhat * gamma + beta


def reference(concept_ids, table, W, b, gamma, beta):
    # embedding lookup (gather)
    emb = jnp.take(table, concept_ids, axis=0)  # [B, F, D]
    # linear: y = emb @ W^T + b (torch nn.Linear convention)
    y = jnp.einsum('bfd,ed->bfe', emb, W) + b
    # layer norm over last dim
    out = _layer_norm(y, gamma, beta)
    return out

if __name__ == "__main__":
    import jax
    _d = setup_inputs()
    print(jax.jit(kernel)(*tuple(_d.values())))

</pallas_src>

<mosaic_0001>
#map = affine_map<(d0, d1) -> (0, 0, 0)>
#map1 = affine_map<(d0, d1) -> (0, 0)>
module attributes {stable_mosaic.version = 14 : i64} {
  func.func @_gather_body(%arg0: i32, %arg1: i32, %arg2: memref<416x8x128xi32, #tpu.memory_space<hbm>>, %arg3: memref<507904x128xf32, #tpu.memory_space<hbm>>, %arg4: memref<425984x128xf32, #tpu.memory_space<hbm>>, %arg5: memref<8x128xi32, #tpu.memory_space<vmem>>, %arg6: memref<256x128xf32, #tpu.memory_space<vmem>>, %arg7: memref<256x128xf32, #tpu.memory_space<vmem>>, %arg8: memref<!tpu.dma_semaphore, #tpu.memory_space<semaphore_mem>>, %arg9: memref<!tpu.dma_semaphore, #tpu.memory_space<semaphore_mem>>, %arg10: memref<!tpu.dma_semaphore, #tpu.memory_space<semaphore_mem>>, %arg11: memref<!tpu.dma_semaphore, #tpu.memory_space<semaphore_mem>>) attributes {dimension_semantics = [#tpu.dimension_semantics<core_parallel>, #tpu.dimension_semantics<subcore_parallel>], iteration_bounds = array<i64: 2, 16>, scalar_prefetch = 0 : i64, scratch_operands = 7 : i64, tpu.core_type = #tpu.core_type<sc_vector_subcore>, window_params = [{transform_indices = #map}, {transform_indices = #map1}, {transform_indices = #map1}]} {
    %mul3A = arith.constant 2 : i32
    %mul3A_0 = arith.muli %arg1, %mul3A : i32
    %add3A = arith.addi %mul3A_0, %arg0 : i32
    %mul3A_1 = arith.constant 13 : i32
    %mul3A_2 = arith.muli %add3A, %mul3A_1 : i32
    %mul3A_3 = arith.constant 1024 : i32
    %mul3A_4 = arith.muli %mul3A_2, %mul3A_3 : i32
    %scan3A = arith.constant 0 : i32
    %scan3A_5 = arith.constant 0 : i32
    %scan3A_6 = arith.constant 13 : i32
    %scan3A_7 = arith.addi %scan3A_5, %scan3A_6 : i32
    %scan3A_8 = arith.constant 1 : i32
    scf.for %scan3A_47 = %scan3A_5 to %scan3A_7 step %scan3A_8  : i32 {
      %gt3A = arith.constant 0 : i32
      %gt3A_48 = arith.cmpi sgt, %scan3A_47, %gt3A : i32
      %convert_element_type3A = arith.extui %gt3A_48 : i1 to i32
      %cond3A = arith.constant 0 : i32
      %cond3A_49 = arith.cmpi ne, %convert_element_type3A, %cond3A : i32
      scf.if %cond3A_49 {
        %mul3A_250 = arith.constant 1024 : i32
        %mul3A_251 = arith.muli %scan3A_47, %mul3A_250 : i32
        %add3A_252 = arith.addi %mul3A_4, %mul3A_251 : i32
        %sub3A_253 = arith.constant 256 : i32
        %sub3A_254 = arith.subi %add3A_252, %sub3A_253 : i32
        %multiple_of3A_255 = tpu.assume_multiple %sub3A_254, 256 : i32
        %dma_wait3A_256 = arith.constant 0 : i32
        %dma_wait3A_257 = arith.constant 0 : i32
        %dma_wait3A_258 = arith.constant 0 : i32
        %dma_wait3A_259 = tpu.memref_slice %arg7[%dma_wait3A_257, %dma_wait3A_258] : memref<256x128xf32, #tpu.memory_space<vmem>> -> memref<128x128xf32, #tpu.memory_space<vmem>>
        %dma_wait3A_260 = arith.constant 0 : i32
        %dma_wait3A_261 = tpu.memref_slice %arg5[%dma_wait3A_256, %dma_wait3A_260] : memref<8x128xi32, #tpu.memory_space<vmem>> -> memref<1x128xi32, #tpu.memory_space<vmem>>
        %dma_wait3A_262 = tpu.memref_squeeze %dma_wait3A_261 : memref<1x128xi32, #tpu.memory_space<vmem>> -> memref<128xi32, #tpu.memory_space<vmem>>
        %dma_wait3A_263 = arith.constant 0 : i32
        %dma_wait3A_264 = arith.constant 0 : i32
        %dma_wait3A_265 = tpu.memref_slice %arg3[%dma_wait3A_263, %dma_wait3A_264] : memref<507904x128xf32, #tpu.memory_space<hbm>> -> memref<507904x128xf32, #tpu.memory_space<hbm>>
        tpu.wait_indirect_dma semaphore(%arg9 : memref<!tpu.dma_semaphore, #tpu.memory_space<semaphore_mem>>) src(%dma_wait3A_265 : memref<507904x128xf32, #tpu.memory_space<hbm>>) dst(%dma_wait3A_259 : memref<128x128xf32, #tpu.memory_space<vmem>>)
        %dma_wait3A_266 = arith.constant 1 : i32
        %dma_wait3A_267 = arith.constant 128 : i32
        %dma_wait3A_268 = arith.constant 0 : i32
        %dma_wait3A_269 = tpu.memref_slice %arg7[%dma_wait3A_267, %dma_wait3A_268] : memref<256x128xf32, #tpu.memory_space<vmem>> -> memref<128x128xf32, #tpu.memory_space<vmem>>
        %dma_wait3A_270 = arith.constant 0 : i32
        %dma_wait3A_271 = tpu.memref_slice %arg5[%dma_wait3A_266, %dma_wait3A_270] : memref<8x128xi32, #tpu.memory_space<vmem>> -> memref<1x128xi32, #tpu.memory_space<vmem>>
        %dma_wait3A_272 = tpu.memref_squeeze %dma_wait3A_271 : memref<1x128xi32, #tpu.memory_space<vmem>> -> memref<128xi32, #tpu.memory_space<vmem>>
        %dma_wait3A_273 = arith.constant 0 : i32
        %dma_wait3A_274 = arith.constant 0 : i32
        %dma_wait3A_275 = tpu.memref_slice %arg3[%dma_wait3A_273, %dma_wait3A_274] : memref<507904x128xf32, #tpu.memory_space<hbm>> -> memref<507904x128xf32, #tpu.memory_space<hbm>>
        tpu.wait_indirect_dma semaphore(%arg9 : memref<!tpu.dma_semaphore, #tpu.memory_space<semaphore_mem>>) src(%dma_wait3A_275 : memref<507904x128xf32, #tpu.memory_space<hbm>>) dst(%dma_wait3A_269 : memref<128x128xf32, #tpu.memory_space<vmem>>)
        %dma_start3A_276 = arith.constant 0 : i32
        %dma_start3A_277 = tpu.memref_slice %arg4[%multiple_of3A_255, %dma_start3A_276] : memref<425984x128xf32, #tpu.memory_space<hbm>> -> memref<256x128xf32, #tpu.memory_space<hbm>>
        %dma_start3A_278 = arith.constant 0 : i32
        %dma_start3A_279 = tpu.memref_slice %arg4[%multiple_of3A_255, %dma_start3A_278] : memref<425984x128xf32, #tpu.memory_space<hbm>> -> memref<256x128xf32, #tpu.memory_space<hbm>>
        tpu.enqueue_dma source(%arg7 : memref<256x128xf32, #tpu.memory_space<vmem>>) target(%dma_start3A_279 : memref<256x128xf32, #tpu.memory_space<hbm>>) target_semaphore(%arg11 : memref<!tpu.dma_semaphore, #tpu.memory_space<semaphore_mem>>)
      } else {
      }
      %mul3A_50 = arith.constant 13 : i32
      %mul3A_51 = arith.muli %add3A, %mul3A_50 : i32
      %add3A_52 = arith.addi %mul3A_51, %scan3A_47 : i32
      "tpu.region"() ({
        %run_scoped3A = tpu.sem_alloc : memref<!tpu.dma_semaphore, #tpu.memory_space<semaphore_mem>>
        %dma_start3A_250 = arith.constant 0 : i32
        %dma_start3A_251 = arith.constant 0 : i32
        %dma_start3A_252 = tpu.memref_slice %arg2[%add3A_52, %dma_start3A_250, %dma_start3A_251] : memref<416x8x128xi32, #tpu.memory_space<hbm>> -> memref<1x8x128xi32, #tpu.memory_space<hbm>>
        %dma_start3A_253 = tpu.memref_squeeze %dma_start3A_252 : memref<1x8x128xi32, #tpu.memory_space<hbm>> -> memref<8x128xi32, #tpu.memory_space<hbm>>
        %dma_start3A_254 = arith.constant 0 : i32
        %dma_start3A_255 = arith.constant 0 : i32
        %dma_start3A_256 = tpu.memref_slice %arg2[%add3A_52, %dma_start3A_254, %dma_start3A_255] : memref<416x8x128xi32, #tpu.memory_space<hbm>> -> memref<1x8x128xi32, #tpu.memory_space<hbm>>
        %dma_start3A_257 = tpu.memref_squeeze %dma_start3A_256 : memref<1x8x128xi32, #tpu.memory_space<hbm>> -> memref<8x128xi32, #tpu.memory_space<hbm>>
        tpu.enqueue_dma source(%dma_start3A_257 : memref<8x128xi32, #tpu.memory_space<hbm>>) target(%arg5 : memref<8x128xi32, #tpu.memory_space<vmem>>) target_semaphore(%run_scoped3A : memref<!tpu.dma_semaphore, #tpu.memory_space<semaphore_mem>>)
        %dma_wait3A_258 = arith.constant 0 : i32
        %dma_wait3A_259 = arith.constant 0 : i32
        %dma_wait3A_260 = tpu.memref_slice %arg2[%add3A_52, %dma_wait3A_258, %dma_wait3A_259] : memref<416x8x128xi32, #tpu.memory_space<hbm>> -> memref<1x8x128xi32, #tpu.memory_space<hbm>>
        %dma_wait3A_261 = tpu.memref_squeeze %dma_wait3A_260 : memref<1x8x128xi32, #tpu.memory_space<hbm>> -> memref<8x128xi32, #tpu.memory_space<hbm>>
        %dma_wait3A_262 = arith.constant 0 : i32
        %dma_wait3A_263 = arith.constant 0 : i32
        %dma_wait3A_264 = tpu.memref_slice %arg2[%add3A_52, %dma_wait3A_262, %dma_wait3A_263] : memref<416x8x128xi32, #tpu.memory_space<hbm>> -> memref<1x8x128xi32, #tpu.memory_space<hbm>>
        %dma_wait3A_265 = tpu.memref_squeeze %dma_wait3A_264 : memref<1x8x128xi32, #tpu.memory_space<hbm>> -> memref<8x128xi32, #tpu.memory_space<hbm>>
        tpu.wait_dma2 semaphore(%run_scoped3A : memref<!tpu.dma_semaphore, #tpu.memory_space<semaphore_mem>>) src(%dma_wait3A_265 : memref<8x128xi32, #tpu.memory_space<hbm>>) dst(%arg5 : memref<8x128xi32, #tpu.memory_space<vmem>>)
        tpu.yield
      }) : () -> ()
      %gt3A_53 = arith.constant 0 : i32
      %gt3A_54 = arith.cmpi sgt, %scan3A_47, %gt3A_53 : i32
      %or3A = arith.constant false
      %or3A_55 = arith.ori %gt3A_54, %or3A : i1
      %convert_element_type3A_56 = arith.extui %or3A_55 : i1 to i32
      %cond3A_57 = arith.constant 0 : i32
      %cond3A_58 = arith.cmpi ne, %convert_element_type3A_56, %cond3A_57 : i32
      scf.if %cond3A_58 {
        %dma_wait3A_250 = arith.constant 0 : i32
        %dma_wait3A_251 = arith.constant 0 : i32
        %dma_wait3A_252 = tpu.memref_slice %arg4[%dma_wait3A_250, %dma_wait3A_251] : memref<425984x128xf32, #tpu.memory_space<hbm>> -> memref<256x128xf32, #tpu.memory_space<hbm>>
        %dma_wait3A_253 = arith.constant 0 : i32
        %dma_wait3A_254 = arith.constant 0 : i32
        %dma_wait3A_255 = tpu.memref_slice %arg4[%dma_wait3A_253, %dma_wait3A_254] : memref<425984x128xf32, #tpu.memory_space<hbm>> -> memref<256x128xf32, #tpu.memory_space<hbm>>
        tpu.wait_dma2 semaphore(%arg10 : memref<!tpu.dma_semaphore, #tpu.memory_space<semaphore_mem>>) src(%dma_wait3A_255 : memref<256x128xf32, #tpu.memory_space<hbm>>) dst(%arg6 : memref<256x128xf32, #tpu.memory_space<vmem>>)
      } else {
      }
      %dma_start3A_59 = arith.constant 0 : i32
      %dma_start3A_60 = arith.constant 0 : i32
      %dma_start3A_61 = arith.constant 0 : i32
      %dma_start3A_62 = tpu.memref_slice %arg6[%dma_start3A_60, %dma_start3A_61] : memref<256x128xf32, #tpu.memory_space<vmem>> -> memref<128x128xf32, #tpu.memory_space<vmem>>
      %dma_start3A_63 = arith.constant 0 : i32
      %dma_start3A_64 = tpu.memref_slice %arg5[%dma_start3A_59, %dma_start3A_63] : memref<8x128xi32, #tpu.memory_space<vmem>> -> memref<1x128xi32, #tpu.memory_space<vmem>>
      %dma_start3A_65 = tpu.memref_squeeze %dma_start3A_64 : memref<1x128xi32, #tpu.memory_space<vmem>> -> memref<128xi32, #tpu.memory_space<vmem>>
      %dma_start3A_66 = arith.constant 0 : i32
      %dma_start3A_67 = arith.constant 0 : i32
      %dma_start3A_68 = tpu.memref_slice %arg3[%dma_start3A_66, %dma_start3A_67] : memref<507904x128xf32, #tpu.memory_space<hbm>> -> memref<507904x128xf32, #tpu.memory_space<hbm>>
      tpu.enqueue_indirect_dma source(%dma_start3A_68 : memref<507904x128xf32, #tpu.memory_space<hbm>>) target(%dma_start3A_62 : memref<128x128xf32, #tpu.memory_space<vmem>>) offsets(%dma_start3A_65 : memref<128xi32, #tpu.memory_space<vmem>>) semaphore(%arg8 : memref<!tpu.dma_semaphore, #tpu.memory_space<semaphore_mem>>)
      %dma_start3A_69 = arith.constant 1 : i32
      %dma_start3A_70 = arith.constant 128 : i32
      %dma_start3A_71 = arith.constant 0 : i32
      %dma_start3A_72 = tpu.memref_slice %arg6[%dma_start3A_70, %dma_start3A_71] : memref<256x128xf32, #tpu.memory_space<vmem>> -> memref<128x128xf32, #tpu.memory_space<vmem>>
      %dma_start3A_73 = arith.constant 0 : i32
      %dma_start3A_74 = tpu.memref_slice %arg5[%dma_start3A_69, %dma_start3A_73] : memref<8x128xi32, #tpu.memory_space<vmem>> -> memref<1x128xi32, #tpu.memory_space<vmem>>
      %dma_start3A_75 = tpu.memref_squeeze %dma_start3A_74 : memref<1x128xi32, #tpu.memory_space<vmem>> -> memref<128xi32, #tpu.memory_space<vmem>>
      %dma_start3A_76 = arith.constant 0 : i32
      %dma_start3A_77 = arith.constant 0 : i32
      %dma_start3A_78 = tpu.memref_slice %arg3[%dma_start3A_76, %dma_start3A_77] : memref<507904x128xf32, #tpu.memory_space<hbm>> -> memref<507904x128xf32, #tpu.memory_space<hbm>>
      tpu.enqueue_indirect_dma source(%dma_start3A_78 : memref<507904x128xf32, #tpu.memory_space<hbm>>) target(%dma_start3A_72 : memref<128x128xf32, #tpu.memory_space<vmem>>) offsets(%dma_start3A_75 : memref<128xi32, #tpu.memory_space<vmem>>) semaphore(%arg8 : memref<!tpu.dma_semaphore, #tpu.memory_space<semaphore_mem>>)
      %gt3A_79 = arith.constant 0 : i32
      %gt3A_80 = arith.cmpi sgt, %scan3A_47, %gt3A_79 : i32
      %or3A_81 = arith.constant false
      %or3A_82 = arith.ori %gt3A_80, %or3A_81 : i1
      %convert_element_type3A_83 = arith.extui %or3A_82 : i1 to i32
      %cond3A_84 = arith.constant 0 : i32
      %cond3A_85 = arith.cmpi ne, %convert_element_type3A_83, %cond3A_84 : i32
      scf.if %cond3A_85 {
        %dma_wait3A_250 = arith.constant 0 : i32
        %dma_wait3A_251 = arith.constant 0 : i32
        %dma_wait3A_252 = tpu.memref_slice %arg4[%dma_wait3A_250, %dma_wait3A_251] : memref<425984x128xf32, #tpu.memory_space<hbm>> -> memref<256x128xf32, #tpu.memory_space<hbm>>
        %dma_wait3A_253 = arith.constant 0 : i32
        %dma_wait3A_254 = arith.constant 0 : i32
        %dma_wait3A_255 = tpu.memref_slice %arg4[%dma_wait3A_253, %dma_wait3A_254] : memref<425984x128xf32, #tpu.memory_space<hbm>> -> memref<256x128xf32, #tpu.memory_space<hbm>>
        tpu.wait_dma2 semaphore(%arg11 : memref<!tpu.dma_semaphore, #tpu.memory_space<semaphore_mem>>) src(%dma_wait3A_255 : memref<256x128xf32, #tpu.memory_space<hbm>>) dst(%arg7 : memref<256x128xf32, #tpu.memory_space<vmem>>)
      } else {
      }
      %dma_start3A_86 = arith.constant 2 : i32
      %dma_start3A_87 = arith.constant 0 : i32
      %dma_start3A_88 = arith.constant 0 : i32
      %dma_start3A_89 = tpu.memref_slice %arg7[%dma_start3A_87, %dma_start3A_88] : memref<256x128xf32, #tpu.memory_space<vmem>> -> memref<128x128xf32, #tpu.memory_space<vmem>>
      %dma_start3A_90 = arith.constant 0 : i32
      %dma_start3A_91 = tpu.memref_slice %arg5[%dma_start3A_86, %dma_start3A_90] : memref<8x128xi32, #tpu.memory_space<vmem>> -> memref<1x128xi32, #tpu.memory_space<vmem>>
      %dma_start3A_92 = tpu.memref_squeeze %dma_start3A_91 : memref<1x128xi32, #tpu.memory_space<vmem>> -> memref<128xi32, #tpu.memory_space<vmem>>
      %dma_start3A_93 = arith.constant 0 : i32
      %dma_start3A_94 = arith.constant 0 : i32
      %dma_start3A_95 = tpu.memref_slice %arg3[%dma_start3A_93, %dma_start3A_94] : memref<507904x128xf32, #tpu.memory_space<hbm>> -> memref<507904x128xf32, #tpu.memory_space<hbm>>
      tpu.enqueue_indirect_dma source(%dma_start3A_95 : memref<507904x128xf32, #tpu.memory_space<hbm>>) target(%dma_start3A_89 : memref<128x128xf32, #tpu.memory_space<vmem>>) offsets(%dma_start3A_92 : memref<128xi32, #tpu.memory_space<vmem>>) semaphore(%arg9 : memref<!tpu.dma_semaphore, #tpu.memory_space<semaphore_mem>>)
      %dma_start3A_96 = arith.constant 3 : i32
      %dma_start3A_97 = arith.constant 128 : i32
      %dma_start3A_98 = arith.constant 0 : i32
      %dma_start3A_99 = tpu.memref_slice %arg7[%dma_start3A_97, %dma_start3A_98] : memref<256x128xf32, #tpu.memory_space<vmem>> -> memref<128x128xf32, #tpu.memory_space<vmem>>
      %dma_start3A_100 = arith.constant 0 : i32
      %dma_start3A_101 = tpu.memref_slice %arg5[%dma_start3A_96, %dma_start3A_100] : memref<8x128xi32, #tpu.memory_space<vmem>> -> memref<1x128xi32, #tpu.memory_space<vmem>>
      %dma_start3A_102 = tpu.memref_squeeze %dma_start3A_101 : memref<1x128xi32, #tpu.memory_space<vmem>> -> memref<128xi32, #tpu.memory_space<vmem>>
      %dma_start3A_103 = arith.constant 0 : i32
      %dma_start3A_104 = arith.constant 0 : i32
      %dma_start3A_105 = tpu.memref_slice %arg3[%dma_start3A_103, %dma_start3A_104] : memref<507904x128xf32, #tpu.memory_space<hbm>> -> memref<507904x128xf32, #tpu.memory_space<hbm>>
      tpu.enqueue_indirect_dma source(%dma_start3A_105 : memref<507904x128xf32, #tpu.memory_space<hbm>>) target(%dma_start3A_99 : memref<128x128xf32, #tpu.memory_space<vmem>>) offsets(%dma_start3A_102 : memref<128xi32, #tpu.memory_space<vmem>>) semaphore(%arg9 : memref<!tpu.dma_semaphore, #tpu.memory_space<semaphore_mem>>)
      %mul3A_106 = arith.constant 1024 : i32
      %mul3A_107 = arith.muli %scan3A_47, %mul3A_106 : i32
      %add3A_108 = arith.addi %mul3A_4, %mul3A_107 : i32
      %add3A_109 = arith.constant 0 : i32
      %add3A_110 = arith.addi %add3A_108, %add3A_109 : i32
      %multiple_of3A_111 = tpu.assume_multiple %add3A_110, 256 : i32
      %dma_wait3A_112 = arith.constant 0 : i32
      %dma_wait3A_113 = arith.constant 0 : i32
      %dma_wait3A_114 = arith.constant 0 : i32
      %dma_wait3A_115 = tpu.memref_slice %arg6[%dma_wait3A_113, %dma_wait3A_114] : memref<256x128xf32, #tpu.memory_space<vmem>> -> memref<128x128xf32, #tpu.memory_space<vmem>>
      %dma_wait3A_116 = arith.constant 0 : i32
      %dma_wait3A_117 = tpu.memref_slice %arg5[%dma_wait3A_112, %dma_wait3A_116] : memref<8x128xi32, #tpu.memory_space<vmem>> -> memref<1x128xi32, #tpu.memory_space<vmem>>
      %dma_wait3A_118 = tpu.memref_squeeze %dma_wait3A_117 : memref<1x128xi32, #tpu.memory_space<vmem>> -> memref<128xi32, #tpu.memory_space<vmem>>
      %dma_wait3A_119 = arith.constant 0 : i32
      %dma_wait3A_120 = arith.constant 0 : i32
      %dma_wait3A_121 = tpu.memref_slice %arg3[%dma_wait3A_119, %dma_wait3A_120] : memref<507904x128xf32, #tpu.memory_space<hbm>> -> memref<507904x128xf32, #tpu.memory_space<hbm>>
      tpu.wait_indirect_dma semaphore(%arg8 : memref<!tpu.dma_semaphore, #tpu.memory_space<semaphore_mem>>) src(%dma_wait3A_121 : memref<507904x128xf32, #tpu.memory_space<hbm>>) dst(%dma_wait3A_115 : memref<128x128xf32, #tpu.memory_space<vmem>>)
      %dma_wait3A_122 = arith.constant 1 : i32
      %dma_wait3A_123 = arith.constant 128 : i32
      %dma_wait3A_124 = arith.constant 0 : i32
      %dma_wait3A_125 = tpu.memref_slice %arg6[%dma_wait3A_123, %dma_wait3A_124] : memref<256x128xf32, #tpu.memory_space<vmem>> -> memref<128x128xf32, #tpu.memory_space<vmem>>
      %dma_wait3A_126 = arith.constant 0 : i32
      %dma_wait3A_127 = tpu.memref_slice %arg5[%dma_wait3A_122, %dma_wait3A_126] : memref<8x128xi32, #tpu.memory_space<vmem>> -> memref<1x128xi32, #tpu.memory_space<vmem>>
      %dma_wait3A_128 = tpu.memref_squeeze %dma_wait3A_127 : memref<1x128xi32, #tpu.memory_space<vmem>> -> memref<128xi32, #tpu.memory_space<vmem>>
      %dma_wait3A_129 = arith.constant 0 : i32
      %dma_wait3A_130 = arith.constant 0 : i32
      %dma_wait3A_131 = tpu.memref_slice %arg3[%dma_wait3A_129, %dma_wait3A_130] : memref<507904x128xf32, #tpu.memory_space<hbm>> -> memref<507904x128xf32, #tpu.memory_space<hbm>>
      tpu.wait_indirect_dma semaphore(%arg8 : memref<!tpu.dma_semaphore, #tpu.memory_space<semaphore_mem>>) src(%dma_wait3A_131 : memref<507904x128xf32, #tpu.memory_space<hbm>>) dst(%dma_wait3A_125 : memref<128x128xf32, #tpu.memory_space<vmem>>)
      %dma_start3A_132 = arith.constant 0 : i32
      %dma_start3A_133 = tpu.memref_slice %arg4[%multiple_of3A_111, %dma_start3A_132] : memref<425984x128xf32, #tpu.memory_space<hbm>> -> memref<256x128xf32, #tpu.memory_space<hbm>>
      %dma_start3A_134 = arith.constant 0 : i32
      %dma_start3A_135 = tpu.memref_slice %arg4[%multiple_of3A_111, %dma_start3A_134] : memref<425984x128xf32, #tpu.memory_space<hbm>> -> memref<256x128xf32, #tpu.memory_space<hbm>>
      tpu.enqueue_dma source(%arg6 : memref<256x128xf32, #tpu.memory_space<vmem>>) target(%dma_start3A_135 : memref<256x128xf32, #tpu.memory_space<hbm>>) target_semaphore(%arg10 : memref<!tpu.dma_semaphore, #tpu.memory_space<semaphore_mem>>)
      %gt3A_136 = arith.constant 0 : i32
      %gt3A_137 = arith.cmpi sgt, %scan3A_47, %gt3A_136 : i32
      %or3A_138 = arith.constant true
      %or3A_139 = arith.ori %gt3A_137, %or3A_138 : i1
      %convert_element_type3A_140 = arith.extui %or3A_139 : i1 to i32
      %cond3A_141 = arith.constant 0 : i32
      %cond3A_142 = arith.cmpi ne, %convert_element_type3A_140, %cond3A_141 : i32
      scf.if %cond3A_142 {
        %dma_wait3A_250 = arith.constant 0 : i32
        %dma_wait3A_251 = arith.constant 0 : i32
        %dma_wait3A_252 = tpu.memref_slice %arg4[%dma_wait3A_250, %dma_wait3A_251] : memref<425984x128xf32, #tpu.memory_space<hbm>> -> memref<256x128xf32, #tpu.memory_space<hbm>>
        %dma_wait3A_253 = arith.constant 0 : i32
        %dma_wait3A_254 = arith.constant 0 : i32
        %dma_wait3A_255 = tpu.memref_slice %arg4[%dma_wait3A_253, %dma_wait3A_254] : memref<425984x128xf32, #tpu.memory_space<hbm>> -> memref<256x128xf32, #tpu.memory_space<hbm>>
        tpu.wait_dma2 semaphore(%arg10 : memref<!tpu.dma_semaphore, #tpu.memory_space<semaphore_mem>>) src(%dma_wait3A_255 : memref<256x128xf32, #tpu.memory_space<hbm>>) dst(%arg6 : memref<256x128xf32, #tpu.memory_space<vmem>>)
      } else {
      }
      %dma_start3A_143 = arith.constant 4 : i32
      %dma_start3A_144 = arith.constant 0 : i32
      %dma_start3A_145 = arith.constant 0 : i32
      %dma_start3A_146 = tpu.memref_slice %arg6[%dma_start3A_144, %dma_start3A_145] : memref<256x128xf32, #tpu.memory_space<vmem>> -> memref<128x128xf32, #tpu.memory_space<vmem>>
      %dma_start3A_147 = arith.constant 0 : i32
      %dma_start3A_148 = tpu.memref_slice %arg5[%dma_start3A_143, %dma_start3A_147] : memref<8x128xi32, #tpu.memory_space<vmem>> -> memref<1x128xi32, #tpu.memory_space<vmem>>
      %dma_start3A_149 = tpu.memref_squeeze %dma_start3A_148 : memref<1x128xi32, #tpu.memory_space<vmem>> -> memref<128xi32, #tpu.memory_space<vmem>>
      %dma_start3A_150 = arith.constant 0 : i32
      %dma_start3A_151 = arith.constant 0 : i32
      %dma_start3A_152 = tpu.memref_slice %arg3[%dma_start3A_150, %dma_start3A_151] : memref<507904x128xf32, #tpu.memory_space<hbm>> -> memref<507904x128xf32, #tpu.memory_space<hbm>>
      tpu.enqueue_indirect_dma source(%dma_start3A_152 : memref<507904x128xf32, #tpu.memory_space<hbm>>) target(%dma_start3A_146 : memref<128x128xf32, #tpu.memory_space<vmem>>) offsets(%dma_start3A_149 : memref<128xi32, #tpu.memory_space<vmem>>) semaphore(%arg8 : memref<!tpu.dma_semaphore, #tpu.memory_space<semaphore_mem>>)
      %dma_start3A_153 = arith.constant 5 : i32
      %dma_start3A_154 = arith.constant 128 : i32
      %dma_start3A_155 = arith.constant 0 : i32
      %dma_start3A_156 = tpu.memref_slice %arg6[%dma_start3A_154, %dma_start3A_155] : memref<256x128xf32, #tpu.memory_space<vmem>> -> memref<128x128xf32, #tpu.memory_space<vmem>>
      %dma_start3A_157 = arith.constant 0 : i32
      %dma_start3A_158 = tpu.memref_slice %arg5[%dma_start3A_153, %dma_start3A_157] : memref<8x128xi32, #tpu.memory_space<vmem>> -> memref<1x128xi32, #tpu.memory_space<vmem>>
      %dma_start3A_159 = tpu.memref_squeeze %dma_start3A_158 : memref<1x128xi32, #tpu.memory_space<vmem>> -> memref<128xi32, #tpu.memory_space<vmem>>
      %dma_start3A_160 = arith.constant 0 : i32
      %dma_start3A_161 = arith.constant 0 : i32
      %dma_start3A_162 = tpu.memref_slice %arg3[%dma_start3A_160, %dma_start3A_161] : memref<507904x128xf32, #tpu.memory_space<hbm>> -> memref<507904x128xf32, #tpu.memory_space<hbm>>
      tpu.enqueue_indirect_dma source(%dma_start3A_162 : memref<507904x128xf32, #tpu.memory_space<hbm>>) target(%dma_start3A_156 : memref<128x128xf32, #tpu.memory_space<vmem>>) offsets(%dma_start3A_159 : memref<128xi32, #tpu.memory_space<vmem>>) semaphore(%arg8 : memref<!tpu.dma_semaphore, #tpu.memory_space<semaphore_mem>>)
      %mul3A_163 = arith.constant 1024 : i32
      %mul3A_164 = arith.muli %scan3A_47, %mul3A_163 : i32
      %add3A_165 = arith.addi %mul3A_4, %mul3A_164 : i32
      %add3A_166 = arith.constant 256 : i32
      %add3A_167 = arith.addi %add3A_165, %add3A_166 : i32
      %multiple_of3A_168 = tpu.assume_multiple %add3A_167, 256 : i32
      %dma_wait3A_169 = arith.constant 0 : i32
      %dma_wait3A_170 = arith.constant 0 : i32
      %dma_wait3A_171 = arith.constant 0 : i32
      %dma_wait3A_172 = tpu.memref_slice %arg7[%dma_wait3A_170, %dma_wait3A_171] : memref<256x128xf32, #tpu.memory_space<vmem>> -> memref<128x128xf32, #tpu.memory_space<vmem>>
      %dma_wait3A_173 = arith.constant 0 : i32
      %dma_wait3A_174 = tpu.memref_slice %arg5[%dma_wait3A_169, %dma_wait3A_173] : memref<8x128xi32, #tpu.memory_space<vmem>> -> memref<1x128xi32, #tpu.memory_space<vmem>>
      %dma_wait3A_175 = tpu.memref_squeeze %dma_wait3A_174 : memref<1x128xi32, #tpu.memory_space<vmem>> -> memref<128xi32, #tpu.memory_space<vmem>>
      %dma_wait3A_176 = arith.constant 0 : i32
      %dma_wait3A_177 = arith.constant 0 : i32
      %dma_wait3A_178 = tpu.memref_slice %arg3[%dma_wait3A_176, %dma_wait3A_177] : memref<507904x128xf32, #tpu.memory_space<hbm>> -> memref<507904x128xf32, #tpu.memory_space<hbm>>
      tpu.wait_indirect_dma semaphore(%arg9 : memref<!tpu.dma_semaphore, #tpu.memory_space<semaphore_mem>>) src(%dma_wait3A_178 : memref<507904x128xf32, #tpu.memory_space<hbm>>) dst(%dma_wait3A_172 : memref<128x128xf32, #tpu.memory_space<vmem>>)
      %dma_wait3A_179 = arith.constant 1 : i32
      %dma_wait3A_180 = arith.constant 128 : i32
      %dma_wait3A_181 = arith.constant 0 : i32
      %dma_wait3A_182 = tpu.memref_slice %arg7[%dma_wait3A_180, %dma_wait3A_181] : memref<256x128xf32, #tpu.memory_space<vmem>> -> memref<128x128xf32, #tpu.memory_space<vmem>>
      %dma_wait3A_183 = arith.constant 0 : i32
      %dma_wait3A_184 = tpu.memref_slice %arg5[%dma_wait3A_179, %dma_wait3A_183] : memref<8x128xi32, #tpu.memory_space<vmem>> -> memref<1x128xi32, #tpu.memory_space<vmem>>
      %dma_wait3A_185 = tpu.memref_squeeze %dma_wait3A_184 : memref<1x128xi32, #tpu.memory_space<vmem>> -> memref<128xi32, #tpu.memory_space<vmem>>
      %dma_wait3A_186 = arith.constant 0 : i32
      %dma_wait3A_187 = arith.constant 0 : i32
      %dma_wait3A_188 = tpu.memref_slice %arg3[%dma_wait3A_186, %dma_wait3A_187] : memref<507904x128xf32, #tpu.memory_space<hbm>> -> memref<507904x128xf32, #tpu.memory_space<hbm>>
      tpu.wait_indirect_dma semaphore(%arg9 : memref<!tpu.dma_semaphore, #tpu.memory_space<semaphore_mem>>) src(%dma_wait3A_188 : memref<507904x128xf32, #tpu.memory_space<hbm>>) dst(%dma_wait3A_182 : memref<128x128xf32, #tpu.memory_space<vmem>>)
      %dma_start3A_189 = arith.constant 0 : i32
      %dma_start3A_190 = tpu.memref_slice %arg4[%multiple_of3A_168, %dma_start3A_189] : memref<425984x128xf32, #tpu.memory_space<hbm>> -> memref<256x128xf32, #tpu.memory_space<hbm>>
      %dma_start3A_191 = arith.constant 0 : i32
      %dma_start3A_192 = tpu.memref_slice %arg4[%multiple_of3A_168, %dma_start3A_191] : memref<425984x128xf32, #tpu.memory_space<hbm>> -> memref<256x128xf32, #tpu.memory_space<hbm>>
      tpu.enqueue_dma source(%arg7 : memref<256x128xf32, #tpu.memory_space<vmem>>) target(%dma_start3A_192 : memref<256x128xf32, #tpu.memory_space<hbm>>) target_semaphore(%arg11 : memref<!tpu.dma_semaphore, #tpu.memory_space<semaphore_mem>>)
      %gt3A_193 = arith.constant 0 : i32
      %gt3A_194 = arith.cmpi sgt, %scan3A_47, %gt3A_193 : i32
      %or3A_195 = arith.constant true
      %or3A_196 = arith.ori %gt3A_194, %or3A_195 : i1
      %convert_element_type3A_197 = arith.extui %or3A_196 : i1 to i32
      %cond3A_198 = arith.constant 0 : i32
      %cond3A_199 = arith.cmpi ne, %convert_element_type3A_197, %cond3A_198 : i32
      scf.if %cond3A_199 {
        %dma_wait3A_250 = arith.constant 0 : i32
        %dma_wait3A_251 = arith.constant 0 : i32
        %dma_wait3A_252 = tpu.memref_slice %arg4[%dma_wait3A_250, %dma_wait3A_251] : memref<425984x128xf32, #tpu.memory_space<hbm>> -> memref<256x128xf32, #tpu.memory_space<hbm>>
        %dma_wait3A_253 = arith.constant 0 : i32
        %dma_wait3A_254 = arith.constant 0 : i32
        %dma_wait3A_255 = tpu.memref_slice %arg4[%dma_wait3A_253, %dma_wait3A_254] : memref<425984x128xf32, #tpu.memory_space<hbm>> -> memref<256x128xf32, #tpu.memory_space<hbm>>
        tpu.wait_dma2 semaphore(%arg11 : memref<!tpu.dma_semaphore, #tpu.memory_space<semaphore_mem>>) src(%dma_wait3A_255 : memref<256x128xf32, #tpu.memory_space<hbm>>) dst(%arg7 : memref<256x128xf32, #tpu.memory_space<vmem>>)
      } else {
      }
      %dma_start3A_200 = arith.constant 6 : i32
      %dma_start3A_201 = arith.constant 0 : i32
      %dma_start3A_202 = arith.constant 0 : i32
      %dma_start3A_203 = tpu.memref_slice %arg7[%dma_start3A_201, %dma_start3A_202] : memref<256x128xf32, #tpu.memory_space<vmem>> -> memref<128x128xf32, #tpu.memory_space<vmem>>
      %dma_start3A_204 = arith.constant 0 : i32
      %dma_start3A_205 = tpu.memref_slice %arg5[%dma_start3A_200, %dma_start3A_204] : memref<8x128xi32, #tpu.memory_space<vmem>> -> memref<1x128xi32, #tpu.memory_space<vmem>>
      %dma_start3A_206 = tpu.memref_squeeze %dma_start3A_205 : memref<1x128xi32, #tpu.memory_space<vmem>> -> memref<128xi32, #tpu.memory_space<vmem>>
      %dma_start3A_207 = arith.constant 0 : i32
      %dma_start3A_208 = arith.constant 0 : i32
      %dma_start3A_209 = tpu.memref_slice %arg3[%dma_start3A_207, %dma_start3A_208] : memref<507904x128xf32, #tpu.memory_space<hbm>> -> memref<507904x128xf32, #tpu.memory_space<hbm>>
      tpu.enqueue_indirect_dma source(%dma_start3A_209 : memref<507904x128xf32, #tpu.memory_space<hbm>>) target(%dma_start3A_203 : memref<128x128xf32, #tpu.memory_space<vmem>>) offsets(%dma_start3A_206 : memref<128xi32, #tpu.memory_space<vmem>>) semaphore(%arg9 : memref<!tpu.dma_semaphore, #tpu.memory_space<semaphore_mem>>)
      %dma_start3A_210 = arith.constant 7 : i32
      %dma_start3A_211 = arith.constant 128 : i32
      %dma_start3A_212 = arith.constant 0 : i32
      %dma_start3A_213 = tpu.memref_slice %arg7[%dma_start3A_211, %dma_start3A_212] : memref<256x128xf32, #tpu.memory_space<vmem>> -> memref<128x128xf32, #tpu.memory_space<vmem>>
      %dma_start3A_214 = arith.constant 0 : i32
      %dma_start3A_215 = tpu.memref_slice %arg5[%dma_start3A_210, %dma_start3A_214] : memref<8x128xi32, #tpu.memory_space<vmem>> -> memref<1x128xi32, #tpu.memory_space<vmem>>
      %dma_start3A_216 = tpu.memref_squeeze %dma_start3A_215 : memref<1x128xi32, #tpu.memory_space<vmem>> -> memref<128xi32, #tpu.memory_space<vmem>>
      %dma_start3A_217 = arith.constant 0 : i32
      %dma_start3A_218 = arith.constant 0 : i32
      %dma_start3A_219 = tpu.memref_slice %arg3[%dma_start3A_217, %dma_start3A_218] : memref<507904x128xf32, #tpu.memory_space<hbm>> -> memref<507904x128xf32, #tpu.memory_space<hbm>>
      tpu.enqueue_indirect_dma source(%dma_start3A_219 : memref<507904x128xf32, #tpu.memory_space<hbm>>) target(%dma_start3A_213 : memref<128x128xf32, #tpu.memory_space<vmem>>) offsets(%dma_start3A_216 : memref<128xi32, #tpu.memory_space<vmem>>) semaphore(%arg9 : memref<!tpu.dma_semaphore, #tpu.memory_space<semaphore_mem>>)
      %mul3A_220 = arith.constant 1024 : i32
      %mul3A_221 = arith.muli %scan3A_47, %mul3A_220 : i32
      %add3A_222 = arith.addi %mul3A_4, %mul3A_221 : i32
      %add3A_223 = arith.constant 512 : i32
      %add3A_224 = arith.addi %add3A_222, %add3A_223 : i32
      %multiple_of3A_225 = tpu.assume_multiple %add3A_224, 256 : i32
      %dma_wait3A_226 = arith.constant 0 : i32
      %dma_wait3A_227 = arith.constant 0 : i32
      %dma_wait3A_228 = arith.constant 0 : i32
      %dma_wait3A_229 = tpu.memref_slice %arg6[%dma_wait3A_227, %dma_wait3A_228] : memref<256x128xf32, #tpu.memory_space<vmem>> -> memref<128x128xf32, #tpu.memory_space<vmem>>
      %dma_wait3A_230 = arith.constant 0 : i32
      %dma_wait3A_231 = tpu.memref_slice %arg5[%dma_wait3A_226, %dma_wait3A_230] : memref<8x128xi32, #tpu.memory_space<vmem>> -> memref<1x128xi32, #tpu.memory_space<vmem>>
      %dma_wait3A_232 = tpu.memref_squeeze %dma_wait3A_231 : memref<1x128xi32, #tpu.memory_space<vmem>> -> memref<128xi32, #tpu.memory_space<vmem>>
      %dma_wait3A_233 = arith.constant 0 : i32
      %dma_wait3A_234 = arith.constant 0 : i32
      %dma_wait3A_235 = tpu.memref_slice %arg3[%dma_wait3A_233, %dma_wait3A_234] : memref<507904x128xf32, #tpu.memory_space<hbm>> -> memref<507904x128xf32, #tpu.memory_space<hbm>>
      tpu.wait_indirect_dma semaphore(%arg8 : memref<!tpu.dma_semaphore, #tpu.memory_space<semaphore_mem>>) src(%dma_wait3A_235 : memref<507904x128xf32, #tpu.memory_space<hbm>>) dst(%dma_wait3A_229 : memref<128x128xf32, #tpu.memory_space<vmem>>)
      %dma_wait3A_236 = arith.constant 1 : i32
      %dma_wait3A_237 = arith.constant 128 : i32
      %dma_wait3A_238 = arith.constant 0 : i32
      %dma_wait3A_239 = tpu.memref_slice %arg6[%dma_wait3A_237, %dma_wait3A_238] : memref<256x128xf32, #tpu.memory_space<vmem>> -> memref<128x128xf32, #tpu.memory_space<vmem>>
      %dma_wait3A_240 = arith.constant 0 : i32
      %dma_wait3A_241 = tpu.memref_slice %arg5[%dma_wait3A_236, %dma_wait3A_240] : memref<8x128xi32, #tpu.memory_space<vmem>> -> memref<1x128xi32, #tpu.memory_space<vmem>>
      %dma_wait3A_242 = tpu.memref_squeeze %dma_wait3A_241 : memref<1x128xi32, #tpu.memory_space<vmem>> -> memref<128xi32, #tpu.memory_space<vmem>>
      %dma_wait3A_243 = arith.constant 0 : i32
      %dma_wait3A_244 = arith.constant 0 : i32
      %dma_wait3A_245 = tpu.memref_slice %arg3[%dma_wait3A_243, %dma_wait3A_244] : memref<507904x128xf32, #tpu.memory_space<hbm>> -> memref<507904x128xf32, #tpu.memory_space<hbm>>
      tpu.wait_indirect_dma semaphore(%arg8 : memref<!tpu.dma_semaphore, #tpu.memory_space<semaphore_mem>>) src(%dma_wait3A_245 : memref<507904x128xf32, #tpu.memory_space<hbm>>) dst(%dma_wait3A_239 : memref<128x128xf32, #tpu.memory_space<vmem>>)
      %dma_start3A_246 = arith.constant 0 : i32
      %dma_start3A_247 = tpu.memref_slice %arg4[%multiple_of3A_225, %dma_start3A_246] : memref<425984x128xf32, #tpu.memory_space<hbm>> -> memref<256x128xf32, #tpu.memory_space<hbm>>
      %dma_start3A_248 = arith.constant 0 : i32
      %dma_start3A_249 = tpu.memref_slice %arg4[%multiple_of3A_225, %dma_start3A_248] : memref<425984x128xf32, #tpu.memory_space<hbm>> -> memref<256x128xf32, #tpu.memory_space<hbm>>
      tpu.enqueue_dma source(%arg6 : memref<256x128xf32, #tpu.memory_space<vmem>>) target(%dma_start3A_249 : memref<256x128xf32, #tpu.memory_space<hbm>>) target_semaphore(%arg10 : memref<!tpu.dma_semaphore, #tpu.memory_space<semaphore_mem>>)
    }
    %scan3A_9 = arith.constant 13 : i32
    %add3A_10 = arith.constant 13312 : i32
    %add3A_11 = arith.addi %mul3A_4, %add3A_10 : i32
    %sub3A = arith.constant 256 : i32
    %sub3A_12 = arith.subi %add3A_11, %sub3A : i32
    %multiple_of3A = tpu.assume_multiple %sub3A_12, 256 : i32
    %dma_wait3A = arith.constant 0 : i32
    %dma_wait3A_13 = arith.constant 0 : i32
    %dma_wait3A_14 = arith.constant 0 : i32
    %dma_wait3A_15 = tpu.memref_slice %arg7[%dma_wait3A_13, %dma_wait3A_14] : memref<256x128xf32, #tpu.memory_space<vmem>> -> memref<128x128xf32, #tpu.memory_space<vmem>>
    %dma_wait3A_16 = arith.constant 0 : i32
    %dma_wait3A_17 = tpu.memref_slice %arg5[%dma_wait3A, %dma_wait3A_16] : memref<8x128xi32, #tpu.memory_space<vmem>> -> memref<1x128xi32, #tpu.memory_space<vmem>>
    %dma_wait3A_18 = tpu.memref_squeeze %dma_wait3A_17 : memref<1x128xi32, #tpu.memory_space<vmem>> -> memref<128xi32, #tpu.memory_space<vmem>>
    %dma_wait3A_19 = arith.constant 0 : i32
    %dma_wait3A_20 = arith.constant 0 : i32
    %dma_wait3A_21 = tpu.memref_slice %arg3[%dma_wait3A_19, %dma_wait3A_20] : memref<507904x128xf32, #tpu.memory_space<hbm>> -> memref<507904x128xf32, #tpu.memory_space<hbm>>
    tpu.wait_indirect_dma semaphore(%arg9 : memref<!tpu.dma_semaphore, #tpu.memory_space<semaphore_mem>>) src(%dma_wait3A_21 : memref<507904x128xf32, #tpu.memory_space<hbm>>) dst(%dma_wait3A_15 : memref<128x128xf32, #tpu.memory_space<vmem>>)
    %dma_wait3A_22 = arith.constant 1 : i32
    %dma_wait3A_23 = arith.constant 128 : i32
    %dma_wait3A_24 = arith.constant 0 : i32
    %dma_wait3A_25 = tpu.memref_slice %arg7[%dma_wait3A_23, %dma_wait3A_24] : memref<256x128xf32, #tpu.memory_space<vmem>> -> memref<128x128xf32, #tpu.memory_space<vmem>>
    %dma_wait3A_26 = arith.constant 0 : i32
    %dma_wait3A_27 = tpu.memref_slice %arg5[%dma_wait3A_22, %dma_wait3A_26] : memref<8x128xi32, #tpu.memory_space<vmem>> -> memref<1x128xi32, #tpu.memory_space<vmem>>
    %dma_wait3A_28 = tpu.memref_squeeze %dma_wait3A_27 : memref<1x128xi32, #tpu.memory_space<vmem>> -> memref<128xi32, #tpu.memory_space<vmem>>
    %dma_wait3A_29 = arith.constant 0 : i32
    %dma_wait3A_30 = arith.constant 0 : i32
    %dma_wait3A_31 = tpu.memref_slice %arg3[%dma_wait3A_29, %dma_wait3A_30] : memref<507904x128xf32, #tpu.memory_space<hbm>> -> memref<507904x128xf32, #tpu.memory_space<hbm>>
    tpu.wait_indirect_dma semaphore(%arg9 : memref<!tpu.dma_semaphore, #tpu.memory_space<semaphore_mem>>) src(%dma_wait3A_31 : memref<507904x128xf32, #tpu.memory_space<hbm>>) dst(%dma_wait3A_25 : memref<128x128xf32, #tpu.memory_space<vmem>>)
    %dma_start3A = arith.constant 0 : i32
    %dma_start3A_32 = tpu.memref_slice %arg4[%multiple_of3A, %dma_start3A] : memref<425984x128xf32, #tpu.memory_space<hbm>> -> memref<256x128xf32, #tpu.memory_space<hbm>>
    %dma_start3A_33 = arith.constant 0 : i32
    %dma_start3A_34 = tpu.memref_slice %arg4[%multiple_of3A, %dma_start3A_33] : memref<425984x128xf32, #tpu.memory_space<hbm>> -> memref<256x128xf32, #tpu.memory_space<hbm>>
    tpu.enqueue_dma source(%arg7 : memref<256x128xf32, #tpu.memory_space<vmem>>) target(%dma_start3A_34 : memref<256x128xf32, #tpu.memory_space<hbm>>) target_semaphore(%arg11 : memref<!tpu.dma_semaphore, #tpu.memory_space<semaphore_mem>>)
    %dma_wait3A_35 = arith.constant 0 : i32
    %dma_wait3A_36 = arith.constant 0 : i32
    %dma_wait3A_37 = tpu.memref_slice %arg4[%dma_wait3A_35, %dma_wait3A_36] : memref<425984x128xf32, #tpu.memory_space<hbm>> -> memref<256x128xf32, #tpu.memory_space<hbm>>
    %dma_wait3A_38 = arith.constant 0 : i32
    %dma_wait3A_39 = arith.constant 0 : i32
    %dma_wait3A_40 = tpu.memref_slice %arg4[%dma_wait3A_38, %dma_wait3A_39] : memref<425984x128xf32, #tpu.memory_space<hbm>> -> memref<256x128xf32, #tpu.memory_space<hbm>>
    tpu.wait_dma2 semaphore(%arg10 : memref<!tpu.dma_semaphore, #tpu.memory_space<semaphore_mem>>) src(%dma_wait3A_40 : memref<256x128xf32, #tpu.memory_space<hbm>>) dst(%arg6 : memref<256x128xf32, #tpu.memory_space<vmem>>)
    %dma_wait3A_41 = arith.constant 0 : i32
    %dma_wait3A_42 = arith.constant 0 : i32
    %dma_wait3A_43 = tpu.memref_slice %arg4[%dma_wait3A_41, %dma_wait3A_42] : memref<425984x128xf32, #tpu.memory_space<hbm>> -> memref<256x128xf32, #tpu.memory_space<hbm>>
    %dma_wait3A_44 = arith.constant 0 : i32
    %dma_wait3A_45 = arith.constant 0 : i32
    %dma_wait3A_46 = tpu.memref_slice %arg4[%dma_wait3A_44, %dma_wait3A_45] : memref<425984x128xf32, #tpu.memory_space<hbm>> -> memref<256x128xf32, #tpu.memory_space<hbm>>
    tpu.wait_dma2 semaphore(%arg11 : memref<!tpu.dma_semaphore, #tpu.memory_space<semaphore_mem>>) src(%dma_wait3A_46 : memref<256x128xf32, #tpu.memory_space<hbm>>) dst(%arg7 : memref<256x128xf32, #tpu.memory_space<vmem>>)
    return
  }
}

module attributes {stable_mosaic.version = 14 : i64} {
  func.func @_repack_body(%arg0: i32, %arg1: memref<64x8192xf32, #tpu.memory_space<vmem>>, %arg2: memref<64x8192xf32, #tpu.memory_space<vmem>>, %arg3: memref<128x128xf32, #tpu.memory_space<vmem>>, %arg4: memref<8192x128xf32, #tpu.memory_space<vmem>>) attributes {dimension_semantics = [#tpu.dimension_semantics<arbitrary>], iteration_bounds = array<i64: 62>, scalar_prefetch = 0 : i64, scratch_operands = 0 : i64, tpu.core_type = #tpu.core_type<tc>, window_params = [{transform_indices = @transform_0, window_bounds = array<i64: 64, 8192>}, {transform_indices = @transform_1, window_bounds = array<i64: 64, 8192>}, {pipeline_mode = #tpu.pipeline_mode<synchronous>, transform_indices = @transform_2, window_bounds = array<i64: 128, 128>}, {transform_indices = @transform_3, window_bounds = array<i64: 8192, 128>}]} {
    %get3A = arith.constant 0 : index
    %get3A_0 = arith.constant 0 : index
    %get3A_1 = vector.load %arg1[%get3A, %get3A_0] : memref<64x8192xf32, #tpu.memory_space<vmem>>, vector<64x8192xf32>
    %get3A_2 = arith.constant 0 : index
    %get3A_3 = arith.constant 0 : index
    %get3A_4 = vector.load %arg2[%get3A_2, %get3A_3] : memref<64x8192xf32, #tpu.memory_space<vmem>>, vector<64x8192xf32>
    %concatenate3A = tpu.concatenate %get3A_1, %get3A_4 in 0 : vector<64x8192xf32>, vector<64x8192xf32> -> vector<128x8192xf32>
    %get3A_5 = arith.constant 0 : index
    %get3A_6 = arith.constant 0 : index
    %get3A_7 = vector.load %arg3[%get3A_5, %get3A_6] : memref<128x128xf32, #tpu.memory_space<vmem>>, vector<128x128xf32>
    %dot_general3A = arith.constant dense<0.000000e+00> : vector<8192x128xf32>
    %dot_general3A_8 = tpu.matmul %concatenate3A, %get3A_7, %dot_general3A {dimension_numbers = #tpu.dot_dimension_numbers<[0], [0], [1], [1], [0, 1, 1, 1], [], []>, transpose_lhs_hint = false} : vector<128x8192xf32>, vector<128x128xf32>, vector<8192x128xf32> -> vector<8192x128xf32>
    %swap3A = arith.constant 0 : index
    %swap3A_9 = arith.constant 0 : index
    %swap3A_10 = vector.load %arg4[%swap3A, %swap3A_9] : memref<8192x128xf32, #tpu.memory_space<vmem>>, vector<8192x128xf32>
    tpu.vector_store %arg4[%swap3A, %swap3A_9], %dot_general3A_8 {strides = array<i32>} : memref<8192x128xf32, #tpu.memory_space<vmem>>, vector<8192x128xf32>,
    return
  }
  func.func @transform_0(%arg0: i32) -> (i32, i32) {
    %c0_i32 = arith.constant 0 : i32
    %c0_i32_0 = arith.constant 0 : i32
    return %c0_i32, %arg0 : i32, i32
  }
  func.func @transform_1(%arg0: i32) -> (i32, i32) {
    %add3A = arith.constant 62 : i32
    %add3A_0 = arith.addi %arg0, %add3A : i32
    %min3A = arith.constant 122 : i32
    %min3A_1 = arith.minsi %add3A_0, %min3A : i32
    %c0_i32 = arith.constant 0 : i32
    %c0_i32_2 = arith.constant 0 : i32
    return %c0_i32, %min3A_1 : i32, i32
  }
  func.func @transform_2(%arg0: i32) -> (i32, i32) {
    %c0_i32 = arith.constant 0 : i32
    %c0_i32_0 = arith.constant 0 : i32
    %c0_i32_1 = arith.constant 0 : i32
    return %c0_i32, %c0_i32_0 : i32, i32
  }
  func.func @transform_3(%arg0: i32) -> (i32, i32) {
    %c0_i32 = arith.constant 0 : i32
    %c0_i32_0 = arith.constant 0 : i32
    return %arg0, %c0_i32 : i32, i32
  }
}

module attributes {stable_mosaic.version = 14 : i64} {
  func.func @_lin_ln_t_body(%arg0: i32, %arg1: i32, %arg2: memref<128x128xf32, #tpu.memory_space<vmem>>, %arg3: memref<64x1xf32, #tpu.memory_space<vmem>>, %arg4: memref<64x1xf32, #tpu.memory_space<vmem>>, %arg5: memref<64x1xf32, #tpu.memory_space<vmem>>, %arg6: memref<1x1x16384xf32, #tpu.memory_space<vmem>>, %arg7: memref<16384x128xf32, #tpu.memory_space<vmem>>, %arg8: memref<1x64x16384xf32, #tpu.memory_space<vmem>>) attributes {dimension_semantics = [#tpu.dimension_semantics<arbitrary>, #tpu.dimension_semantics<arbitrary>], iteration_bounds = array<i64: 26, 1>, scalar_prefetch = 0 : i64, scratch_operands = 0 : i64, tpu.core_type = #tpu.core_type<tc>, window_params = [{pipeline_mode = #tpu.pipeline_mode<synchronous>, transform_indices = @transform_0, window_bounds = array<i64: 128, 128>}, {pipeline_mode = #tpu.pipeline_mode<synchronous>, transform_indices = @transform_1, window_bounds = array<i64: 64, 1>}, {pipeline_mode = #tpu.pipeline_mode<synchronous>, transform_indices = @transform_2, window_bounds = array<i64: 64, 1>}, {pipeline_mode = #tpu.pipeline_mode<synchronous>, transform_indices = @transform_3, window_bounds = array<i64: 64, 1>}, {transform_indices = @transform_4, window_bounds = array<i64: 1, 1, 16384>}, {transform_indices = @transform_5, window_bounds = array<i64: 16384, 128>}, {transform_indices = @transform_6, window_bounds = array<i64: 1, 64, 16384>}]} {
    %get3A = arith.constant 0 : index
    %get3A_0 = arith.constant 0 : index
    %get3A_1 = vector.load %arg7[%get3A, %get3A_0] : memref<16384x128xf32, #tpu.memory_space<vmem>>, vector<16384x128xf32>
    %get3A_2 = arith.constant 0 : index
    %get3A_3 = arith.constant 0 : index
    %get3A_4 = vector.load %arg2[%get3A_2, %get3A_3] : memref<128x128xf32, #tpu.memory_space<vmem>>, vector<128x128xf32>
    %dot_general3A = arith.constant dense<0.000000e+00> : vector<128x16384xf32>
    %dot_general3A_5 = tpu.matmul %get3A_4, %get3A_1, %dot_general3A {dimension_numbers = #tpu.dot_dimension_numbers<[1], [1], [0], [0], [0, 0, 1, 0], [], []>, transpose_lhs_hint = false} : vector<128x128xf32>, vector<16384x128xf32>, vector<128x16384xf32> -> vector<128x16384xf32>
    %get3A_6 = arith.constant 0 : index
    %get3A_7 = arith.constant 0 : index
    %get3A_8 = arith.constant 0 : index
    %get3A_9 = vector.load %arg6[%get3A_6, %get3A_7, %get3A_8] : memref<1x1x16384xf32, #tpu.memory_space<vmem>>, vector<1x1x16384xf32>
    %get3A_10 = vector.shape_cast %get3A_9 : vector<1x1x16384xf32> to vector<1x16384xf32>
    %gt3A = arith.constant 5.000000e-01 : f32
    %gt3A_11 = vector.broadcast %gt3A : f32 to vector<1x16384xf32>
    %gt3A_12 = arith.cmpf ogt, %get3A_10, %gt3A_11 : vector<1x16384xf32>
    %slice3A = vector.extract_strided_slice %dot_general3A_5 {offsets = [64, 0], sizes = [64, 16384], strides = [1, 1]} : vector<128x16384xf32> to vector<64x16384xf32>
    %slice3A_13 = vector.extract_strided_slice %dot_general3A_5 {offsets = [0, 0], sizes = [64, 16384], strides = [1, 1]} : vector<128x16384xf32> to vector<64x16384xf32>
    %broadcast_in_dim3A = vector.shape_cast %gt3A_12 : vector<1x16384xi1> to vector<1x16384xi1>
    %broadcast_in_dim3A_14 = vector.broadcast %broadcast_in_dim3A : vector<1x16384xi1> to vector<64x16384xi1>
    %select_n3A = arith.select %broadcast_in_dim3A_14, %slice3A, %slice3A_13 : vector<64x16384xi1>, vector<64x16384xf32>
    %get3A_15 = arith.constant 0 : index
    %get3A_16 = arith.constant 0 : index
    %get3A_17 = vector.load %arg3[%get3A_15, %get3A_16] : memref<64x1xf32, #tpu.memory_space<vmem>>, vector<64x1xf32>
    %add3A = vector.broadcast %get3A_17 : vector<64x1xf32> to vector<64x16384xf32>
    %add3A_18 = arith.addf %select_n3A, %add3A : vector<64x16384xf32>
    %reduce_sum3A = arith.constant dense<0.000000e+00> : vector<16384xf32>
    %reduce_sum3A_19 = vector.multi_reduction <add>, %add3A_18, %reduce_sum3A [0] : vector<64x16384xf32> to vector<16384xf32>
    %broadcast_in_dim3A_20 = vector.shape_cast %reduce_sum3A_19 : vector<16384xf32> to vector<1x16384xf32>
    %div3A = arith.constant 6.400000e+01 : f32
    %div3A_21 = vector.broadcast %div3A : f32 to vector<1x16384xf32>
    %div3A_22 = arith.divf %broadcast_in_dim3A_20, %div3A_21 : vector<1x16384xf32>
    %sub3A = vector.broadcast %div3A_22 : vector<1x16384xf32> to vector<64x16384xf32>
    %sub3A_23 = arith.subf %add3A_18, %sub3A : vector<64x16384xf32>
    %mul3A = arith.mulf %sub3A_23, %sub3A_23 : vector<64x16384xf32>
    %reduce_sum3A_24 = arith.constant dense<0.000000e+00> : vector<16384xf32>
    %reduce_sum3A_25 = vector.multi_reduction <add>, %mul3A, %reduce_sum3A_24 [0] : vector<64x16384xf32> to vector<16384xf32>
    %broadcast_in_dim3A_26 = vector.shape_cast %reduce_sum3A_25 : vector<16384xf32> to vector<1x16384xf32>
    %div3A_27 = arith.constant 6.400000e+01 : f32
    %div3A_28 = vector.broadcast %div3A_27 : f32 to vector<1x16384xf32>
    %div3A_29 = arith.divf %broadcast_in_dim3A_26, %div3A_28 : vector<1x16384xf32>
    %add3A_30 = arith.constant 9.99999974E-6 : f32
    %add3A_31 = vector.broadcast %add3A_30 : f32 to vector<1x16384xf32>
    %add3A_32 = arith.addf %div3A_29, %add3A_31 : vector<1x16384xf32>
    %rsqrt3A = math.rsqrt %add3A_32 : vector<1x16384xf32>
    %mul3A_33 = vector.broadcast %rsqrt3A : vector<1x16384xf32> to vector<64x16384xf32>
    %mul3A_34 = arith.mulf %sub3A_23, %mul3A_33 : vector<64x16384xf32>
    %get3A_35 = arith.constant 0 : index
    %get3A_36 = arith.constant 0 : index
    %get3A_37 = vector.load %arg4[%get3A_35, %get3A_36] : memref<64x1xf32, #tpu.memory_space<vmem>>, vector<64x1xf32>
    %mul3A_38 = vector.broadcast %get3A_37 : vector<64x1xf32> to vector<64x16384xf32>
    %mul3A_39 = arith.mulf %mul3A_34, %mul3A_38 : vector<64x16384xf32>
    %get3A_40 = arith.constant 0 : index
    %get3A_41 = arith.constant 0 : index
    %get3A_42 = vector.load %arg5[%get3A_40, %get3A_41] : memref<64x1xf32, #tpu.memory_space<vmem>>, vector<64x1xf32>
    %add3A_43 = vector.broadcast %get3A_42 : vector<64x1xf32> to vector<64x16384xf32>
    %add3A_44 = arith.addf %mul3A_39, %add3A_43 : vector<64x16384xf32>
    %broadcast_in_dim3A_45 = vector.shape_cast %add3A_44 : vector<64x16384xf32> to vector<1x64x16384xf32>
    %swap3A = arith.constant 0 : index
    %swap3A_46 = arith.constant 0 : index
    %swap3A_47 = arith.constant 0 : index
    %swap3A_48 = vector.load %arg8[%swap3A, %swap3A_46, %swap3A_47] : memref<1x64x16384xf32, #tpu.memory_space<vmem>>, vector<1x64x16384xf32>
    tpu.vector_store %arg8[%swap3A, %swap3A_46, %swap3A_47], %broadcast_in_dim3A_45 {strides = array<i32>} : memref<1x64x16384xf32, #tpu.memory_space<vmem>>, vector<1x64x16384xf32>,
    return
  }
  func.func @transform_0(%arg0: i32, %arg1: i32) -> (i32, i32) {
    %c0_i32 = arith.constant 0 : i32
    %c0_i32_0 = arith.constant 0 : i32
    %c0_i32_1 = arith.constant 0 : i32
    return %c0_i32, %c0_i32_0 : i32, i32
  }
  func.func @transform_1(%arg0: i32, %arg1: i32) -> (i32, i32) {
    %c0_i32 = arith.constant 0 : i32
    %c0_i32_0 = arith.constant 0 : i32
    %c0_i32_1 = arith.constant 0 : i32
    return %c0_i32, %c0_i32_0 : i32, i32
  }
  func.func @transform_2(%arg0: i32, %arg1: i32) -> (i32, i32) {
    %c0_i32 = arith.constant 0 : i32
    %c0_i32_0 = arith.constant 0 : i32
    %c0_i32_1 = arith.constant 0 : i32
    return %c0_i32, %c0_i32_0 : i32, i32
  }
  func.func @transform_3(%arg0: i32, %arg1: i32) -> (i32, i32) {
    %c0_i32 = arith.constant 0 : i32
    %c0_i32_0 = arith.constant 0 : i32
    %c0_i32_1 = arith.constant 0 : i32
    return %c0_i32, %c0_i32_0 : i32, i32
  }
  func.func @transform_4(%arg0: i32, %arg1: i32) -> (i32, i32, i32) {
    %c0_i32 = arith.constant 0 : i32
    %c0_i32_0 = arith.constant 0 : i32
    return %arg0, %c0_i32, %arg1 : i32, i32, i32
  }
  func.func @transform_5(%arg0: i32, %arg1: i32) -> (i32, i32) {
    %mul3A = arith.constant 1 : i32
    %mul3A_0 = arith.muli %arg0, %mul3A : i32
    %add3A = arith.addi %mul3A_0, %arg1 : i32
    %c0_i32 = arith.constant 0 : i32
    %c0_i32_1 = arith.constant 0 : i32
    return %add3A, %c0_i32 : i32, i32
  }
  func.func @transform_6(%arg0: i32, %arg1: i32) -> (i32, i32, i32) {
    %c0_i32 = arith.constant 0 : i32
    %c0_i32_0 = arith.constant 0 : i32
    return %arg0, %c0_i32, %arg1 : i32, i32, i32
  }
}

</mosaic_0001>

<sc_bundles>
// kernel: kernel.5.cloned.1.call-start
scs
__scs_entry_jumppad:
0x0: {  	(pc) =	sbr.rel $0x88, $3  }
0x1: {  	(tag) =	ssettag $0x0;
	lr =	simm.s32 $0x1  }
0x2: {  	[smem:$0x3F9B] =	sst lr;
	_ =	strace $0xD0000000  }
0x3: {  	_ = 	snop  }
0x4: {  	_ = 	snop  }
0x5: {  	_ = 	snop  }
0x6: {  	_ = 	snop  }
0x7: {  	_ = 	snop  }
__scs_overlays_trampoline_lowered:
0x8: {  	[smem:$0x3FAA] =	sst s0  }
0x9: {  	[smem:$0x3FAB] =	sst s1  }
0xa: {  	[smem:$0x3FAC] =	sst s2  }
0xb: {  	[smem:$0x3FAD] =	sst s3  }
0xc: {  	[smem:$0x3FAE] =	sst s4  }
0xd: {  	[smem:$0x3FAF] =	sst s5  }
0xe: {  	[smem:$0x3FB0] =	sst s6  }
0xf: {  	[smem:$0x3FB1] =	sst s7  }
0x10: {  	[smem:$0x3FB2] =	sst s8  }
0x11: {  	[smem:$0x3FB3] =	sst s9;
	s0 =	simm.s32 @!p0 $0x0  }
0x12: {  	s1 =	sld [smem:$0x3F99];
	s0 =	simm.s32 @p0 $0x1  }
0x13: {  	[smem:$0x3FB4] =	sst s0;
	s0 =	simm.s32 @!p1 $0x0  }
0x14: {  	s2 =	sld [smem:$0x3F98];
	s0 =	simm.s32 @p1 $0x1  }
0x15: {  	[smem:$0x3FB5] =	sst s0;
	s0 =	simm.s32 @!p2 $0x0  }
0x16: {  	s3 =	sld [smem:$0x3FDB];
	s0 =	simm.s32 @p2 $0x1  }
0x17: {  	s4 =	simm.s32 $0x1BF5;
	[smem:$0x3FB7] =	sst s0  }
0x18: {  	s0 =	sld [smem:$0x3F9A];
	_ =	swait.ge [sflag:s4], $0x0  }
0x19: {  	s7 =	sld [smem:$0x3F9B]  }
0x1a: {  	s8 =	sadd.s32 $0xFFFFE003, lr  }
0x1b: {  	s9 =	sadd.s32 $0xFFFFFEF7, lr;
	s5 =	simm.s32 $0xFFFFFFFF;
	p2 =	slt.u32 s8, $0xFFFFF086  }
0x1c: {  	p1 =	slt.u32 s9, $0xF7A;
	s5 =	simm.s32 @!p2 $0x0  }
0x1d: {  	s5 =	simm.s32 @p1 $0x1;
	p0 =	seq.s32 s7, s2  }
0x1e: {  	s7 =	smul.u32 @!p0 $0xF7A, s2;
	p2 =	seq.s32 @!p0 s5, $0x0  }
0x1f: {  	s9 =	smul.u32 $0xF7A, s1;
	s8 =	simm.s32 @!p0 $0x1BF5;
	p2 =	por !p2, p0  }
0x20: {  	[sflag:s8] =	ssyncset.s32 @!p0 $0xFFFFF086;
	s6 =	sadd.s32 @!p0 s3, s7;
	s7 =	simm.s32 @!p0 $0x108  }
0x21: {  	s3 =	sadd.s32 s3, s9;
	s6 =	sadd.s32 @!p0 $0x88, s6;
	s7 =	simm.s32 @p2 $0x1082  }
0x22: {  	[simem:s7], [sflag:s8] =	dma.local @!p0 [hbm:s6], $0xF7A  }
0x23: {  	s9 =	sor.u32 $0xD0000000, s2;
	s6 =	simm.s32 $0x108;
	_ =	swait.ge @!p0 [sflag:s8], $0x0  }
0x24: {  	s3 =	sadd.s32 $0x88, s3;
	s6 =	simm.s32 @!p1 $0x1082;
	[sflag:s4] =	ssyncset.s32 $0xFFFFF086  }
0x25: {  	[simem:s6], [sflag:s4] =	dma.local [hbm:s3], $0xF7A  }
0x26: {  	[smem:$0x3F9B] =	sst s1;
	(tag) =	ssettag s2;
	_ =	strace s9  }
0x27: {  	s1 =	sld [smem:$0x3FAB]  }
0x28: {  	s2 =	sld [smem:$0x3FAC]  }
0x29: {  	s4 =	sld [smem:$0x3FAE]  }
0x2a: {  	p0 =	seq.s32 s5, $0x0;
	s5 =	sld [smem:$0x3FAF]  }
0x2b: {  	s6 =	sld [smem:$0x3FB0]  }
0x2c: {  	s7 =	sld [smem:$0x3FB1]  }
0x2d: {  	s3 =	simm.s32 $0x108;
	s8 =	sld [smem:$0x3FB2]  }
0x2e: {  	s3 =	simm.s32 @!p0 $0x1082;
	s9 =	sld [smem:$0x3FB3]  }
0x2f: {  	lr =	sadd.s32 s0, s3;
	s0 =	sld [smem:$0x3FAA]  }
0x30: {  	s3 =	sld [smem:$0x3FAD]  }
0x31: {  	[smem:$0x3FB6] =	sst s10  }
0x32: {  	s10 =	sld [smem:$0x3FB4];
	_ =	sdelay $0x3  }
0x33: {  	p0 =	seq.s32 s10, $0x1;
	s10 =	sld [smem:$0x3FB6];
	_ =	sdelay $0x3  }
0x34: {  	[smem:$0x3FB6] =	sst s10  }
0x35: {  	s10 =	sld [smem:$0x3FB5];
	_ =	sdelay $0x3  }
0x36: {  	p1 =	seq.s32 s10, $0x1;
	s10 =	sld [smem:$0x3FB6];
	_ =	sdelay $0x3  }
0x37: {  	[smem:$0x3FB6] =	sst s10  }
0x38: {  	s10 =	sld [smem:$0x3FB7]  }
0x39: {  	_ = 	snop;
	(pc) =	sbr.ind lr, $3  }
0x3a: {  	_ = 	snop  }
0x3b: {  	_ = 	snop  }
0x3c: {  	p2 =	seq.s32 s10, $0x1;
	s10 =	sld [smem:$0x3FB6]  }
0x3d: {  	_ =	shalt  }
0x3e: {  	_ =	shalt  }
0x3f: {  	_ =	shalt  }
0x40: {  	_ =	shalt  }
0x41: {  	_ =	shalt  }
0x42: {  	_ =	shalt  }
0x43: {  	_ =	shalt  }
0x44: {  	_ =	shalt  }
0x45: {  	_ =	shalt  }
0x46: {  	_ =	shalt  }
0x47: {  	_ =	shalt  }
0x48: {  	_ =	shalt  }
0x49: {  	_ =	shalt  }
0x4a: {  	_ =	shalt  }
0x4b: {  	_ =	shalt  }
0x4c: {  	_ =	shalt  }
0x4d: {  	_ =	shalt  }
0x4e: {  	_ =	shalt  }
0x4f: {  	_ =	shalt  }
0x50: {  	_ =	shalt  }
0x51: {  	_ =	shalt  }
0x52: {  	_ =	shalt  }
0x53: {  	_ =	shalt  }
0x54: {  	_ =	shalt  }
0x55: {  	_ =	shalt  }
0x56: {  	_ =	shalt  }
0x57: {  	_ =	shalt  }
0x58: {  	_ =	shalt  }
0x59: {  	_ =	shalt  }
0x5a: {  	_ =	shalt  }
0x5b: {  	_ =	shalt  }
0x5c: {  	_ =	shalt  }
0x5d: {  	_ =	shalt  }
0x5e: {  	_ =	shalt  }
0x5f: {  	_ =	shalt  }
0x60: {  	_ =	shalt  }
0x61: {  	_ =	shalt  }
0x62: {  	_ =	shalt  }
0x63: {  	_ =	shalt  }
0x64: {  	_ =	shalt  }
0x65: {  	_ =	shalt  }
0x66: {  	_ =	shalt  }
0x67: {  	_ =	shalt  }
0x68: {  	_ =	shalt  }
0x69: {  	_ =	shalt  }
0x6a: {  	_ =	shalt  }
0x6b: {  	_ =	shalt  }
0x6c: {  	_ =	shalt  }
0x6d: {  	_ =	shalt  }
0x6e: {  	_ =	shalt  }
0x6f: {  	_ =	shalt  }
0x70: {  	_ =	shalt  }
0x71: {  	_ =	shalt  }
0x72: {  	_ =	shalt  }
0x73: {  	_ =	shalt  }
0x74: {  	_ =	shalt  }
0x75: {  	_ =	shalt  }
0x76: {  	_ =	shalt  }
0x77: {  	_ =	shalt  }
0x78: {  	_ =	shalt  }
0x79: {  	_ =	shalt  }
0x7a: {  	_ =	shalt  }
0x7b: {  	_ =	shalt  }
0x7c: {  	_ =	shalt  }
0x7d: {  	_ =	shalt  }
0x7e: {  	_ =	shalt  }
0x7f: {  	_ =	shalt  }
0x80: {  	_ =	shalt  }
0x81: {  	_ =	shalt  }
0x82: {  	_ =	shalt  }
0x83: {  	_ =	shalt  }
0x84: {  	_ =	shalt  }
0x85: {  	_ =	shalt  }
0x86: {  	_ =	shalt  }
0x87: {  	_ =	shalt  }
.Lfunc_end0:
.L_simem_size_0:
called_computation_lowered:
.L_overlay_start_0:
0x88: {  	s2 =	sld [smem:$0x3FD9]  }
0x89: {  	s3 =	sld [smem:$0x3FFE];
	_ =	sdelay $0x1  }
0x8a: {  	s1 =	srdreg.scid  }
0x8b: {  	s0 =	sand.u32 $0x1, s1  }
0x8c: {  	s17 =	sshll.u32 s0, $0xA;
	s2 =	sadd.s32 s3, s2  }
0x8d: {  	s2 =	sadd.s32 s2, s17  }
0x8e: {  	[smem:$0x3FC2] =	sst s2  }
0x8f: {  	_ = 	snop  }
0x90: {  	s2 =	sld [smem:$0x3FD0];
	(tm) =	ssettm $0x1  }
0x91: {  	s18 =	sld [smem:$0x3FFB];
	_ =	sdelay $0x3  }
0x92: {  	_ =	strace s18  }
0x93: {  	s3 =	sld [smem:$0x3FFC];
	_ =	sdelay $0x3  }
0x94: {  	_ =	strace s3  }
0x95: {  	s3 =	sld [smem:$0x3FFD];
	_ =	sdelay $0x3  }
0x96: {  	_ =	strace s3  }
0x97: {  	_ =	strace $0x8FFFFFFF  }
0x98: {  	s19 =	sld [smem:$0x3FDB];
	_ =	sdelay $0x1  }
0x99: {  	s4 =	simm.s32 $_scs_section_size  }
0x9a: {  	s5 =	simm.s32 $_size__tile_overlayer_lowered;
	s6 =	simm.s32 $_tile_overlayer_lowered  }
0x9b: {  	s22 =	simm.s32 $0x1BFF;
	s21 =	sshll.u32 s6, $0x1;
	s3 =	sadd.s32 s4, s19  }
0x9c: {  	s7 =	simm.s32 $0x0;
	s20 =	sshll.u32 s5, $0x1;
	s5 =	sadd.s32 s21, s3  }
0x9d: {  	[timem:s7], [sflag:s22] =	dma.local [hbm:s5], s20  }
0x9e: {  	_ =	swait.ge [sflag:s22], s20  }
0x9f: {  	s4 =	ssub.s32 $0x0, s20;
	[sflag:s22] =	ssyncset.done $0x0  }
0xa0: {  	[sflag:s22] =	ssyncadd.s32 s4;
	_ =	sdelay $0x1  }
0xa1: {  	s23 =	simm.s32 $0x1B8B  }
0xa2: {  	_ =	swait.ge [sflag:s23], $0x1  }
0xa3: {  	[sflag:s23] =	ssyncset.done $0x0  }
0xa4: {  	s25 =	simm.s32 $0x1B8E;
	s24 =	sld [smem:$0x3FFE];
	[sflag:s23] =	ssyncadd.s32 $0xFFFFFFFF  }
0xa5: {  	s26 =	simm.s32 $execute0_lowered;
	[smem:$0x3FD2] =	sst s25  }
0xa6: {  	s5 =	sshll.u32 s26, $0x1;
	_ =	strace $0x80000046;
	[dreg:$0x1] =	wrdreg $0xFFFFFFFF  }
0xa7: {  	s28 =	simm.s32 $_size_execute0_lowered;
	s3 =	sadd.s32 s3, s5;
	[dreg:$0x0] =	wrdreg $0x0  }
0xa8: {  	s5 =	sshll.u32 s28, $0x1;
	[dreg:$0x2] =	wrdreg s3  }
0xa9: {  	[dreg:$0x3] =	wrdreg s5  }
0xaa: {  	[dreg:$0x4] =	wrdreg $0xC0  }
0xab: {  	_ =	task [dreg:s7], $0x5FFFF  }
0xac: {  	[dreg:$0x1] =	wrdreg $0xFFFFFFFF  }
0xad: {  	[dreg:$0x0] =	wrdreg $0x60  }
0xae: {  	[dreg:$0x2] =	wrdreg s2  }
0xaf: {  	[dreg:$0x3] =	wrdreg s24  }
0xb0: {  	[dreg:$0x4] =	wrdreg $0x9  }
0xb1: {  	_ =	task.clear_ibuf [dreg:s7], $0x5FFFF;
	_ =	strace $0x90000046  }
0xb2: {  	s29 =	simm.s32 $0x9;
	_ =	strace $0x80000048  }
0xb3: {  	_ =	swait.ge [sflag:s29], $0x1  }
0xb4: {  	[sflag:s29] =	ssyncadd.s32 $0xFFFFFFFF  }
0xb5: {  	_ =	strace $0x90000048  }
0xb6: {  	_ =	sfence  }
0xb7: {  	s30 =	sld [smem:$0x0];
	_ =	sdelay $0x2  }
0xb8: {  	s31 =	sshll.u32 s1, $0xD;
	s1 =	sshrl.u32 s1, $0x2  }
0xb9: {  	s3 =	sand.u32 $0x4000, s31;
	s1 =	sadd.s32 s1, s30  }
0xba: {  	s0 =	sor.u32 s3, s0;
	s1 =	sshll.u32 s1, $0x11  }
0xbb: {  	s0 =	sor.u32 s1, s0  }
0xbc: {  	s0 =	sadd.s32 $0x8F2B, s0  }
0xbd: {  	[sflag:s0] =	ssyncadd.remote.s32 $0x1  }
0xbe: {  	_ =	sfence.sel $0xFFFF  }
0xbf: {  	[dreg:$0x0] =	wrdreg $0xFFFFFFFF;
	(pc) =	sbr.abs _section_cstart, $3  }
0xc0: {  	[dreg:$0x1] =	wrdreg $0xFFFFFFFF  }
0xc1: {  	_ =	task.clear_ibuf [dreg:s7], $0x2FFFF;
	_ =	strace $0x9FFFFFFF  }
0xc2: {  	(tm) =	ssettm $0x7FFFFFFF  }
0xc3: {  	_ =	shalt  }
tec
execute0_lowered:
.L_overlay_start_1:
0x0: {  	(tag) =	ssettag $0x1  }
0x1: {  	s7 =	rddreg [dreg:$0x0];
	s1 =	srdreg.scid  }
0x2: {  	s0 =	stileid.u32;
	s4 =	rddreg [dreg:$0x1]  }
0x3: {  	s2 =	simm.s32 $0x0;
	s30 =	simm.s32 $0x100;
	s31 =	simm.s32 $0x180  }
0x4: {  	s14 =	simm.s32 $0x200;
	s15 =	simm.s32 $0x280;
	s16 =	simm.s32 $0x4400  }
0x5: {  	s17 =	simm.s32 $0x300;
	s8 =	sand.u32 $0x1, s1;
	s1 =	rddreg [dreg:$0x2]  }
0x6: {  	s18 =	simm.s32 $0x380;
	[smem:$0x7FF] =	sst s2;
	s9 =	smul.u32 $0x340000, s0  }
0x7: {  	s11 =	smul.u32 $0xD00, s0;
	_ =	strace $0x80000047;
	[dreg:$0x4] =	wrdreg s30  }
0x8: {  	s3 =	sshll.u32 s0, $0x1;
	s13 =	smul.u32 $0x68000, s0;
	[dreg:$0x5] =	wrdreg s31  }
0x9: {  	s3 =	sor.u32 s8, s3;
	s10 =	smul.u32 $0x1A0000, s8;
	[dreg:$0x6] =	wrdreg s14  }
0xa: {  	s6 =	ssub.s32 $0x2, s8;
	s26 =	smul.u32 $0x34000, s8;
	[dreg:$0x7] =	wrdreg s15  }
0xb: {  	s8 =	smul.u32 $0x680, s8;
	s14 =	simm.s32 $0x400;
	[dreg:$0x8] =	wrdreg s16  }
0xc: {  	s15 =	simm.s32 $0x3;
	s16 =	simm.s32 $0x2;
	[dreg:$0x9] =	wrdreg s17  }
0xd: {  	s17 =	simm.s32 $0x4;
	[dreg:$0xa] =	wrdreg s18;
	s18 =	simm.s32 $0x0  }
0xe: {  	s5 =	smul.u32 $0x1A0000, s3;
	s3 =	sadd.s32 $0xE00, s4;
	s4 =	sadd.s32 $0x7C0E00, s4  }
0xf: {  	s12 =	sshrl.u32 s6, $0x1;
	s28 =	sadd.s32 s11, s7;
	s11 =	simm.s32 $0x8400  }
0x10: {  	s6 =	ssub.s32 s6, s12;
	s13 =	sadd.s32 s13, s4;
	s9 =	sadd.s32 s10, s9  }
0x11: {  	s8 =	sadd.s32 s8, s28;
	s10 =	simm.s32 $0x80;
	s12 =	simm.s32 $0xC400  }
0x12: {  	s5 =	sshrl.u32 s5, $0x3;
	s6 =	smax.u32 s6, $0x1;
	s29 =	sadd.s32 s26, s13  }
0x13: {  	s7 =	sadd.s32 $0xFFFF8000, s9;
	s9 =	simm.s32 $0x5;
	s5 =	sadd.s32 s4, s5  }
0x14: {  	s13 =	simm.s32 $0x1;
	[dreg:$0x3] =	wrdreg s29;
	s5 =	sadd.s32 $0x33000, s5  }
.LBB2_1:
0x15: {  	p0 =	por $0x1, $0x1  }
0x16: {  	s19 =	simm.s32 @!p0 $0x2  }
0x17: {  	_ =	swait.ge @!p0 [sflag:s19], $0x4000  }
0x18: {  	[sflag:s19] =	ssyncset.done @!p0 $0x0  }
0x19: {  	[sflag:s19] =	ssyncadd.s32 @!p0 $0xFFFFC000  }
0x1a: {  	_ =	swait.ge @!p0 [sflag:s19], $0x4000  }
0x1b: {  	s20 =	sshrl.u32 @!p0 s7, $0x3;
	s21 =	simm.s32 @!p0 $0x8400;
	[sflag:s19] =	ssyncset.done @!p0 $0x0  }
0x1c: {  	[sflag:s19] =	ssyncadd.s32 @!p0 $0xFFFFC000;
	s19 =	sadd.s32 @!p0 s4, s20;
	s20 =	simm.s32 @!p0 $0x0  }
0x1d: {  	[hbm4b:s19+s20] =	stream.linear.scatter @!p0 [tilespmem:s21], [sflag:$0x4], $0x8000, $0x38;
	[tilespmem:$0x10400] =	vst v63  }
0x1e: {  	_ = 	snop  }
0x1f: {  	[tilespmem:s2], [sflag:$0x5] =	stream.linear.gather [hbm4b:s8+s2], $0x400, $0x38;
	[tilespmem:$0x10400] =	vst v63  }
0x20: {  	_ =	swait.ge [sflag:s9], $0x400  }
0x21: {  	p0 =	por $0x0, $0x0;
	[sflag:s9] =	ssyncset.done $0x0  }
0x22: {  	s19 =	simm.s32 @p0 $0x3;
	[sflag:s9] =	ssyncadd.s32 $0xFFFFFC00  }
0x23: {  	_ =	swait.ge @p0 [sflag:s19], $0x8000  }
0x24: {  	s20 =	simm.s32 @p0 $0x400;
	[sflag:s19] =	ssyncset.done @p0 $0x0  }
0x25: {  	s21 =	simm.s32 @p0 $0x0;
	[sflag:s19] =	ssyncadd.s32 @p0 $0xFFFF8000;
	s19 =	simm.s32 @p0 $0x80  }
0x26: {  	[tilespmem:s20], [sflag:$0x1] =	stream.indirect.gather @p0 [hbm4b:s3+s19], $0x80, s21, s19, $0xb8;
	[tilespmem:$0x10400] =	vst v63  }
0x27: {  	s20 =	simm.s32 @p0 $0x4400;
	s21 =	simm.s32 @p0 $0x4  }
0x28: {  	[tilespmem:s20], [sflag:$0x1] =	stream.indirect.gather @p0 [hbm4b:s3+s19], $0x80, s19, s19, $0xb8;
	[tilespmem:$0x10400] =	vst v63  }
0x29: {  	_ =	swait.ge @p0 [sflag:s21], $0x8000  }
0x2a: {  	s19 =	simm.s32 @!p0 $0x400;
	[sflag:s21] =	ssyncset.done @p0 $0x0  }
0x2b: {  	s20 =	simm.s32 @!p0 $0x80;
	[sflag:s21] =	ssyncadd.s32 @p0 $0xFFFF8000;
	s21 =	simm.s32 @!p0 $0x0  }
0x2c: {  	[tilespmem:s19], [sflag:$0x1] =	stream.indirect.gather @!p0 [hbm4b:s3+s20], $0x80, s21, s20, $0xb8;
	[tilespmem:$0x10400] =	vst v63  }
0x2d: {  	s19 =	simm.s32 @!p0 $0x4400  }
0x2e: {  	[tilespmem:s19], [sflag:$0x1] =	stream.indirect.gather @!p0 [hbm4b:s3+s20], $0x80, s20, s20, $0xb8;
	[tilespmem:$0x10400] =	vst v63  }
0x2f: {  	s22 =	rddreg [dreg:$0x4]  }
0x30: {  	[tilespmem:s11], [sflag:$0x2] =	stream.indirect.gather [hbm4b:s3+s10], $0x80, s22, s10, $0xb8;
	[tilespmem:$0x10400] =	vst v63  }
0x31: {  	s23 =	rddreg [dreg:$0x5]  }
0x32: {  	[tilespmem:s12], [sflag:$0x2] =	stream.indirect.gather [hbm4b:s3+s10], $0x80, s23, s10, $0xb8;
	[tilespmem:$0x10400] =	vst v63  }
0x33: {  	_ =	swait.ge [sflag:s13], $0x4000  }
0x34: {  	[sflag:s13] =	ssyncset.done $0x0  }
0x35: {  	[sflag:s13] =	ssyncadd.s32 $0xFFFFC000  }
0x36: {  	_ =	swait.ge [sflag:s13], $0x4000  }
0x37: {  	s24 =	rddreg [dreg:$0x3];
	[sflag:s13] =	ssyncset.done $0x0  }
0x38: {  	[sflag:s13] =	ssyncadd.s32 $0xFFFFC000;
	s23 =	sadd.s32 $0x0, s24  }
0x39: {  	[hbm4b:s23+s2] =	stream.linear.scatter [tilespmem:s14], [sflag:$0x3], $0x8000, $0x38;
	[tilespmem:$0x10400] =	vst v63  }
0x3a: {  	_ =	swait.ge [sflag:s15], $0x8000  }
0x3b: {  	s25 =	rddreg [dreg:$0x6];
	[sflag:s15] =	ssyncset.done $0x0  }
0x3c: {  	s26 =	rddreg [dreg:$0x8];
	[sflag:s15] =	ssyncadd.s32 $0xFFFF8000  }
0x3d: {  	[tilespmem:s14], [sflag:$0x1] =	stream.indirect.gather [hbm4b:s3+s10], $0x80, s25, s10, $0xb8;
	[tilespmem:$0x10400] =	vst v63  }
0x3e: {  	s28 =	rddreg [dreg:$0x7]  }
0x3f: {  	[tilespmem:s26], [sflag:$0x1] =	stream.indirect.gather [hbm4b:s3+s10], $0x80, s28, s10, $0xb8;
	[tilespmem:$0x10400] =	vst v63  }
0x40: {  	_ =	swait.ge [sflag:s16], $0x4000  }
0x41: {  	[sflag:s16] =	ssyncset.done $0x0  }
0x42: {  	[sflag:s16] =	ssyncadd.s32 $0xFFFFC000  }
0x43: {  	_ =	swait.ge [sflag:s16], $0x4000  }
0x44: {  	[sflag:s16] =	ssyncset.done $0x0  }
0x45: {  	s29 =	sadd.s32 $0x1000, s23;
	[sflag:s16] =	ssyncadd.s32 $0xFFFFC000  }
0x46: {  	[hbm4b:s29+s2] =	stream.linear.scatter [tilespmem:s11], [sflag:$0x4], $0x8000, $0x38;
	[tilespmem:$0x10400] =	vst v63  }
0x47: {  	_ =	swait.ge [sflag:s17], $0x8000  }
0x48: {  	[sflag:s17] =	ssyncset.done $0x0  }
0x49: {  	s30 =	rddreg [dreg:$0x9];
	[sflag:s17] =	ssyncadd.s32 $0xFFFF8000  }
0x4a: {  	[tilespmem:s11], [sflag:$0x2] =	stream.indirect.gather [hbm4b:s3+s10], $0x80, s30, s10, $0xb8;
	[tilespmem:$0x10400] =	vst v63  }
0x4b: {  	s31 =	rddreg [dreg:$0xa]  }
0x4c: {  	[tilespmem:s12], [sflag:$0x2] =	stream.indirect.gather [hbm4b:s3+s10], $0x80, s31, s10, $0xb8;
	[tilespmem:$0x10400] =	vst v63  }
0x4d: {  	_ =	swait.ge [sflag:s13], $0x4000  }
0x4e: {  	[sflag:s13] =	ssyncset.done $0x0  }
0x4f: {  	p1 =	por $0x0, $0x0;
	s21 =	sadd.s32 $0x20000, s7;
	[sflag:s13] =	ssyncadd.s32 $0xFFFFC000  }
0x50: {  	s19 =	simm.s32 $0x4000;
	s20 =	sadd.s32 $0x80, s8;
	_ =	swait.ge [sflag:s13], $0x4000  }
0x51: {  	s22 =	simm.s32 $0x8000;
	s24 =	sadd.s32 $0x2000, s23;
	[sflag:s13] =	ssyncset.done $0x0  }
.LBB2_2:
0x52: {  	s25 =	simm.s32 @!p1 $0x2;
	[sflag:s13] =	ssyncadd.s32 $0xFFFFC000  }
0x53: {  	[hbm4b:s24+s2] =	stream.linear.scatter [tilespmem:s14], [sflag:$0x3], $0x8000, $0x38;
	[tilespmem:$0x10400] =	vst v63  }
0x54: {  	_ =	swait.ge @!p1 [sflag:s25], $0x4000  }
0x55: {  	[sflag:s25] =	ssyncset.done @!p1 $0x0  }
0x56: {  	[sflag:s25] =	ssyncadd.s32 @!p1 $0xFFFFC000  }
0x57: {  	_ =	swait.ge @!p1 [sflag:s25], $0x4000  }
0x58: {  	s26 =	simm.s32 @!p1 $0x8400;
	s24 =	sshrl.u32 @!p1 s21, $0x3;
	[sflag:s25] =	ssyncset.done @!p1 $0x0  }
0x59: {  	s24 =	sadd.s32 @!p1 s4, s24;
	[sflag:s25] =	ssyncadd.s32 @!p1 $0xFFFFC000;
	s25 =	simm.s32 @!p1 $0x0  }
0x5a: {  	[hbm4b:s24+s25] =	stream.linear.scatter @!p1 [tilespmem:s26], [sflag:$0x4], $0x8000, $0x38;
	[tilespmem:$0x10400] =	vst v63  }
0x5b: {  	_ = 	snop  }
0x5c: {  	[tilespmem:s2], [sflag:$0x5] =	stream.linear.gather [hbm4b:s20+s2], $0x400, $0x38;
	[tilespmem:$0x10400] =	vst v63  }
0x5d: {  	_ =	swait.ge [sflag:s9], $0x400  }
0x5e: {  	p1 =	sne.s32 s19, $0x0;
	[sflag:s9] =	ssyncset.done $0x0  }
0x5f: {  	s24 =	simm.s32 @p1 $0x3;
	[sflag:s9] =	ssyncadd.s32 $0xFFFFFC00  }
0x60: {  	_ =	swait.ge @p1 [sflag:s24], $0x8000  }
0x61: {  	s25 =	simm.s32 @p1 $0x400;
	[sflag:s24] =	ssyncset.done @p1 $0x0  }
0x62: {  	s26 =	simm.s32 @p1 $0x0;
	[sflag:s24] =	ssyncadd.s32 @p1 $0xFFFF8000;
	s24 =	simm.s32 @p1 $0x80  }
0x63: {  	[tilespmem:s25], [sflag:$0x1] =	stream.indirect.gather @p1 [hbm4b:s3+s24], $0x80, s26, s24, $0xb8;
	[tilespmem:$0x10400] =	vst v63  }
0x64: {  	s25 =	simm.s32 @p1 $0x4400;
	s26 =	simm.s32 @p1 $0x4  }
0x65: {  	[tilespmem:s25], [sflag:$0x1] =	stream.indirect.gather @p1 [hbm4b:s3+s24], $0x80, s24, s24, $0xb8;
	[tilespmem:$0x10400] =	vst v63  }
0x66: {  	_ =	swait.ge @p1 [sflag:s26], $0x8000  }
0x67: {  	s24 =	simm.s32 @!p1 $0x400;
	[sflag:s26] =	ssyncset.done @p1 $0x0  }
0x68: {  	s25 =	simm.s32 @!p1 $0x80;
	[sflag:s26] =	ssyncadd.s32 @p1 $0xFFFF8000;
	s26 =	simm.s32 @!p1 $0x0  }
0x69: {  	[tilespmem:s24], [sflag:$0x1] =	stream.indirect.gather @!p1 [hbm4b:s3+s25], $0x80, s26, s25, $0xb8;
	[tilespmem:$0x10400] =	vst v63  }
0x6a: {  	s24 =	simm.s32 @!p1 $0x4400  }
0x6b: {  	[tilespmem:s24], [sflag:$0x1] =	stream.indirect.gather @!p1 [hbm4b:s3+s25], $0x80, s25, s25, $0xb8;
	[tilespmem:$0x10400] =	vst v63  }
0x6c: {  	s29 =	rddreg [dreg:$0x4]  }
0x6d: {  	[tilespmem:s11], [sflag:$0x2] =	stream.indirect.gather [hbm4b:s3+s10], $0x80, s29, s10, $0xb8;
	[tilespmem:$0x10400] =	vst v63  }
0x6e: {  	s30 =	rddreg [dreg:$0x5]  }
0x6f: {  	[tilespmem:s12], [sflag:$0x2] =	stream.indirect.gather [hbm4b:s3+s10], $0x80, s30, s10, $0xb8;
	[tilespmem:$0x10400] =	vst v63  }
0x70: {  	_ =	swait.ge [sflag:s13], $0x4000  }
0x71: {  	[sflag:s13] =	ssyncset.done $0x0  }
0x72: {  	[sflag:s13] =	ssyncadd.s32 $0xFFFFC000  }
0x73: {  	_ =	swait.ge [sflag:s13], $0x4000  }
0x74: {  	s31 =	rddreg [dreg:$0x3];
	[sflag:s13] =	ssyncset.done $0x0  }
0x75: {  	[sflag:s13] =	ssyncadd.s32 $0xFFFFC000;
	s24 =	sadd.s32 s19, s31  }
0x76: {  	[hbm4b:s24+s2] =	stream.linear.scatter [tilespmem:s14], [sflag:$0x3], $0x8000, $0x38;
	[tilespmem:$0x10400] =	vst v63  }
0x77: {  	_ =	swait.ge [sflag:s15], $0x8000  }
0x78: {  	s25 =	rddreg [dreg:$0x6];
	[sflag:s15] =	ssyncset.done $0x0  }
0x79: {  	s26 =	rddreg [dreg:$0x8];
	[sflag:s15] =	ssyncadd.s32 $0xFFFF8000  }
0x7a: {  	[tilespmem:s14], [sflag:$0x1] =	stream.indirect.gather [hbm4b:s3+s10], $0x80, s25, s10, $0xb8;
	[tilespmem:$0x10400] =	vst v63  }
0x7b: {  	s28 =	rddreg [dreg:$0x7]  }
0x7c: {  	[tilespmem:s26], [sflag:$0x1] =	stream.indirect.gather [hbm4b:s3+s10], $0x80, s28, s10, $0xb8;
	[tilespmem:$0x10400] =	vst v63  }
0x7d: {  	_ =	swait.ge [sflag:s16], $0x4000  }
0x7e: {  	[sflag:s16] =	ssyncset.done $0x0  }
0x7f: {  	[sflag:s16] =	ssyncadd.s32 $0xFFFFC000  }
0x80: {  	_ =	swait.ge [sflag:s16], $0x4000  }
0x81: {  	[sflag:s16] =	ssyncset.done $0x0  }
0x82: {  	s29 =	sadd.s32 $0x1000, s24;
	[sflag:s16] =	ssyncadd.s32 $0xFFFFC000  }
0x83: {  	[hbm4b:s29+s2] =	stream.linear.scatter [tilespmem:s11], [sflag:$0x4], $0x8000, $0x38;
	[tilespmem:$0x10400] =	vst v63  }
0x84: {  	_ =	swait.ge [sflag:s17], $0x8000  }
0x85: {  	s23 =	smov.u32 s22;
	[sflag:s17] =	ssyncset.done $0x0  }
0x86: {  	s22 =	sadd.s32 $0x4000, s22;
	s30 =	rddreg [dreg:$0x9];
	[sflag:s17] =	ssyncadd.s32 $0xFFFF8000  }
0x87: {  	[tilespmem:s11], [sflag:$0x2] =	stream.indirect.gather [hbm4b:s3+s10], $0x80, s30, s10, $0xb8;
	[tilespmem:$0x10400] =	vst v63  }
0x88: {  	p0 =	sne.s32 s22, $0x34000;
	s31 =	rddreg [dreg:$0xa]  }
0x89: {  	[tilespmem:s12], [sflag:$0x2] =	stream.indirect.gather [hbm4b:s3+s10], $0x80, s31, s10, $0xb8;
	[tilespmem:$0x10400] =	vst v63  }
.Ltmp0:
0x8a: {  	_ =	swait.ge [sflag:s13], $0x4000;
	(pc) =	sbr.rel @p0 .LBB2_2-.Ltmp0, $4  }
0x8b: {  	[sflag:s13] =	ssyncset.done $0x0  }
0x8c: {  	s21 =	sadd.s32 $0x20000, s21;
	[sflag:s13] =	ssyncadd.s32 $0xFFFFC000  }
0x8d: {  	s20 =	sadd.s32 $0x80, s20;
	s19 =	smov.u32 s23;
	_ =	swait.ge [sflag:s13], $0x4000  }
0x8e: {  	p1 =	seq.s32 s19, $0x0;
	s24 =	sadd.s32 $0x2000, s24;
	[sflag:s13] =	ssyncset.done $0x0  }
0x8f: {  	s22 =	simm.s32 @!p1 $0x2;
	[sflag:s13] =	ssyncadd.s32 $0xFFFFC000  }
0x90: {  	[hbm4b:s24+s2] =	stream.linear.scatter [tilespmem:s14], [sflag:$0x3], $0x8000, $0x38;
	[tilespmem:$0x10400] =	vst v63  }
0x91: {  	_ =	swait.ge @!p1 [sflag:s22], $0x4000  }
0x92: {  	[sflag:s22] =	ssyncset.done @!p1 $0x0  }
0x93: {  	[sflag:s22] =	ssyncadd.s32 @!p1 $0xFFFFC000  }
0x94: {  	_ =	swait.ge @!p1 [sflag:s22], $0x4000  }
0x95: {  	s21 =	sshrl.u32 @!p1 s21, $0x3;
	s23 =	simm.s32 @!p1 $0x8400;
	[sflag:s22] =	ssyncset.done @!p1 $0x0  }
0x96: {  	s21 =	sadd.s32 @!p1 s4, s21;
	[sflag:s22] =	ssyncadd.s32 @!p1 $0xFFFFC000;
	s22 =	simm.s32 @!p1 $0x0  }
0x97: {  	[hbm4b:s21+s22] =	stream.linear.scatter @!p1 [tilespmem:s23], [sflag:$0x4], $0x8000, $0x38;
	[tilespmem:$0x10400] =	vst v63  }
0x98: {  	_ = 	snop  }
0x99: {  	[tilespmem:s2], [sflag:$0x5] =	stream.linear.gather [hbm4b:s20+s2], $0x400, $0x38;
	[tilespmem:$0x10400] =	vst v63  }
0x9a: {  	_ =	swait.ge [sflag:s9], $0x400  }
0x9b: {  	p0 =	sne.s32 s19, $0x0;
	[sflag:s9] =	ssyncset.done $0x0  }
0x9c: {  	s20 =	simm.s32 @p0 $0x3;
	[sflag:s9] =	ssyncadd.s32 $0xFFFFFC00  }
0x9d: {  	_ =	swait.ge @p0 [sflag:s20], $0x8000  }
0x9e: {  	s21 =	simm.s32 @p0 $0x400;
	[sflag:s20] =	ssyncset.done @p0 $0x0  }
0x9f: {  	s22 =	simm.s32 @p0 $0x0;
	[sflag:s20] =	ssyncadd.s32 @p0 $0xFFFF8000;
	s20 =	simm.s32 @p0 $0x80  }
0xa0: {  	[tilespmem:s21], [sflag:$0x1] =	stream.indirect.gather @p0 [hbm4b:s3+s20], $0x80, s22, s20, $0xb8;
	[tilespmem:$0x10400] =	vst v63  }
0xa1: {  	s21 =	simm.s32 @p0 $0x4400;
	s22 =	simm.s32 @p0 $0x4  }
0xa2: {  	[tilespmem:s21], [sflag:$0x1] =	stream.indirect.gather @p0 [hbm4b:s3+s20], $0x80, s20, s20, $0xb8;
	[tilespmem:$0x10400] =	vst v63  }
0xa3: {  	_ =	swait.ge @p0 [sflag:s22], $0x8000  }
0xa4: {  	s20 =	simm.s32 @!p0 $0x400;
	[sflag:s22] =	ssyncset.done @p0 $0x0  }
0xa5: {  	s21 =	simm.s32 @!p0 $0x80;
	[sflag:s22] =	ssyncadd.s32 @p0 $0xFFFF8000;
	s22 =	simm.s32 @!p0 $0x0  }
0xa6: {  	[tilespmem:s20], [sflag:$0x1] =	stream.indirect.gather @!p0 [hbm4b:s3+s21], $0x80, s22, s21, $0xb8;
	[tilespmem:$0x10400] =	vst v63  }
0xa7: {  	s20 =	simm.s32 @!p0 $0x4400  }
0xa8: {  	[tilespmem:s20], [sflag:$0x1] =	stream.indirect.gather @!p0 [hbm4b:s3+s21], $0x80, s21, s21, $0xb8;
	[tilespmem:$0x10400] =	vst v63  }
0xa9: {  	s31 =	rddreg [dreg:$0x4]  }
0xaa: {  	[tilespmem:s11], [sflag:$0x2] =	stream.indirect.gather [hbm4b:s3+s10], $0x80, s31, s10, $0xb8;
	[tilespmem:$0x10400] =	vst v63  }
0xab: {  	s21 =	rddreg [dreg:$0x5]  }
0xac: {  	[tilespmem:s12], [sflag:$0x2] =	stream.indirect.gather [hbm4b:s3+s10], $0x80, s21, s10, $0xb8;
	[tilespmem:$0x10400] =	vst v63  }
0xad: {  	_ =	swait.ge [sflag:s13], $0x4000  }
0xae: {  	[sflag:s13] =	ssyncset.done $0x0  }
0xaf: {  	[sflag:s13] =	ssyncadd.s32 $0xFFFFC000  }
0xb0: {  	_ =	swait.ge [sflag:s13], $0x4000  }
0xb1: {  	s23 =	rddreg [dreg:$0x3];
	[sflag:s13] =	ssyncset.done $0x0  }
0xb2: {  	[sflag:s13] =	ssyncadd.s32 $0xFFFFC000;
	s24 =	sadd.s32 s19, s23  }
0xb3: {  	[hbm4b:s24+s2] =	stream.linear.scatter [tilespmem:s14], [sflag:$0x3], $0x8000, $0x38;
	[tilespmem:$0x10400] =	vst v63  }
0xb4: {  	_ =	swait.ge [sflag:s15], $0x8000  }
0xb5: {  	s25 =	rddreg [dreg:$0x6];
	[sflag:s15] =	ssyncset.done $0x0  }
0xb6: {  	s26 =	rddreg [dreg:$0x8];
	[sflag:s15] =	ssyncadd.s32 $0xFFFF8000  }
0xb7: {  	[tilespmem:s14], [sflag:$0x1] =	stream.indirect.gather [hbm4b:s3+s10], $0x80, s25, s10, $0xb8;
	[tilespmem:$0x10400] =	vst v63  }
0xb8: {  	s28 =	rddreg [dreg:$0x7]  }
0xb9: {  	[tilespmem:s26], [sflag:$0x1] =	stream.indirect.gather [hbm4b:s3+s10], $0x80, s28, s10, $0xb8;
	[tilespmem:$0x10400] =	vst v63  }
0xba: {  	_ =	swait.ge [sflag:s16], $0x4000  }
0xbb: {  	[sflag:s16] =	ssyncset.done $0x0  }
0xbc: {  	[sflag:s16] =	ssyncadd.s32 $0xFFFFC000  }
0xbd: {  	_ =	swait.ge [sflag:s16], $0x4000  }
0xbe: {  	[sflag:s16] =	ssyncset.done $0x0  }
0xbf: {  	s29 =	sadd.s32 $0x1000, s24;
	[sflag:s16] =	ssyncadd.s32 $0xFFFFC000  }
0xc0: {  	[hbm4b:s29+s2] =	stream.linear.scatter [tilespmem:s11], [sflag:$0x4], $0x8000, $0x38;
	[tilespmem:$0x10400] =	vst v63  }
0xc1: {  	_ =	swait.ge [sflag:s17], $0x8000  }
0xc2: {  	[sflag:s17] =	ssyncset.done $0x0  }
0xc3: {  	s30 =	rddreg [dreg:$0x9];
	[sflag:s17] =	ssyncadd.s32 $0xFFFF8000  }
0xc4: {  	[tilespmem:s11], [sflag:$0x2] =	stream.indirect.gather [hbm4b:s3+s10], $0x80, s30, s10, $0xb8;
	[tilespmem:$0x10400] =	vst v63  }
0xc5: {  	s31 =	rddreg [dreg:$0xa]  }
0xc6: {  	[tilespmem:s12], [sflag:$0x2] =	stream.indirect.gather [hbm4b:s3+s10], $0x80, s31, s10, $0xb8;
	[tilespmem:$0x10400] =	vst v63  }
0xc7: {  	_ =	swait.ge [sflag:s13], $0x4000  }
0xc8: {  	[sflag:s13] =	ssyncset.done $0x0  }
0xc9: {  	[sflag:s13] =	ssyncadd.s32 $0xFFFFC000  }
0xca: {  	_ =	swait.ge [sflag:s13], $0x4000  }
0xcb: {  	[sflag:s13] =	ssyncset.done $0x0  }
0xcc: {  	s19 =	sadd.s32 $0x2000, s24;
	[sflag:s13] =	ssyncadd.s32 $0xFFFFC000  }
0xcd: {  	[hbm4b:s19+s2] =	stream.linear.scatter [tilespmem:s14], [sflag:$0x3], $0x8000, $0x38;
	[tilespmem:$0x10400] =	vst v63  }
0xce: {  	_ =	swait.ge [sflag:s16], $0x4000  }
0xcf: {  	[sflag:s16] =	ssyncset.done $0x0  }
0xd0: {  	[sflag:s16] =	ssyncadd.s32 $0xFFFFC000  }
0xd1: {  	_ =	swait.ge [sflag:s16], $0x4000  }
0xd2: {  	[sflag:s16] =	ssyncset.done $0x0  }
0xd3: {  	s18 =	sadd.s32 $0x1, s18;
	[sflag:s16] =	ssyncadd.s32 $0xFFFFC000  }
0xd4: {  	[hbm4b:s5+s2] =	stream.linear.scatter [tilespmem:s11], [sflag:$0x4], $0x8000, $0x38;
	[tilespmem:$0x10400] =	vst v63  }
0xd5: {  	p0 =	sne.s32 s18, s6;
	_ =	swait.ge [sflag:s15], $0x8000  }
.Ltmp1:
0xd6: {  	[sflag:s15] =	ssyncset.done $0x0;
	(pc) =	sbr.rel @p0 .LBB2_1-.Ltmp1, $4  }
0xd7: {  	[sflag:s15] =	ssyncadd.s32 $0xFFFF8000  }
0xd8: {  	_ =	swait.ge [sflag:s17], $0x8000  }
0xd9: {  	[sflag:s17] =	ssyncset.done $0x0  }
0xda: {  	[sflag:s17] =	ssyncadd.s32 $0xFFFF8000  }
0xdb: {  	_ =	sfence.sel $0x180000  }
0xdc: {  	[bflag:$0x0] =	sbarrier.arrive $0xFFFF  }
0xdd: {  	p0 =	sne.s32 s0, $0x0;
	_ =	strace $0x90000047  }
0xde: {  	s0 =	sadd.s32 @!p0 $0x100000, s1;
	[bflag:$0x2] =	sbarrier.arrive $0xFFFF  }
0xdf: {  	[sflag:s0] =	ssyncadd.tile.s32 @!p0 $0x1;
	_ =	shalt  }
.Lfunc_end2:
_tile_overlayer_lowered:
.L_overlay_start_2:
0xe0: {  	(tag) =	ssettag $0x2  }
0xe1: {  	s0 =	rddreg [dreg:$0x0];
	s2 =	stileid.u32  }
0xe2: {  	s1 =	rddreg [dreg:$0x1];
	p0 =	sne.s32 s2, $0x0  }
0xe3: {  	s3 =	rddreg [dreg:$0x2];
	[bflag:$0x3] =	sbarrier.arrive $0xFFFF;
	s2 =	simm.s32 @!p0 $0x1C05  }
0xe4: {  	[timem:s3], [sflag:s2] =	dma.local @!p0 [hbm:s0], s1  }
0xe5: {  	s0 =	simm.s32 @!p0 $0x5  }
0xe6: {  	_ =	swait.ge @!p0 [sflag:s0], s1  }
0xe7: {  	s1 =	ssub.s32 @!p0 $0x0, s1;
	[sflag:s0] =	ssyncset.done @!p0 $0x0  }
0xe8: {  	[sflag:s0] =	ssyncadd.s32 @!p0 s1  }
0xe9: {  	[bflag:$0x3] =	sbarrier.arrive $0xFFFF  }
0xea: {  	_ =	shalt  }

</sc_bundles>
